<compile_context>
chip_gen: v7x
topology: tpu7x:2x2x1
jax: 0.10.2.dev20260603
libtpu: 0.0.44.dev20260713+nightly
codegen_flags: <defaults>
</compile_context>

<pallas_src>
import functools

import jax
import jax.numpy as jnp
from jax import lax
from jax.experimental import pallas as pl
from jax.experimental.pallas import tpu as pltpu
from jax.experimental.pallas import tpu_sc as plsc

L = 16
NCH = 8
DIM = 128
RPT = 24
PART = (NCH + 1) * L
P3_TILE = 14
_FETCH = 10 * PART
_SP1 = 13 * PART + _FETCH
_PIE_OFF = 16 * L
_SP2 = _PIE_OFF + 3 * DIM


def _sc_body(idx_hbm, w_hbm, head_hbm, out_hbm,
             idx_v, rows_v, part_v, pie_v, slab_v, part2_v,
             slab2_v, head_v, out_v, spmem1, spmem2, sem):
  tid = lax.axis_index("s")
  cid = lax.axis_index("c")
  zero = jnp.zeros((L,), jnp.float32)
  isp3 = jnp.logical_and(tid == P3_TILE, cid == 0)

  cnt = jnp.where(tid < 10, 20,
                  jnp.where(tid < 12, 17,
                            jnp.where(tid == 12, 16,
                                      jnp.where(tid == 13, 20, 0))))
  lo = jnp.where(tid < 10, 0, jnp.where(tid < 13, 10, 13))
  grp = jnp.where(tid < 10, 10,
                  jnp.where(tid < 13, 3, jnp.where(tid == 13, 1, 0)))
  is_leader = jnp.logical_or(tid == 0, jnp.logical_or(tid == 10, tid == 13))
  leader_ix = jnp.where(tid == 0, 0, jnp.where(tid == 10, 1, 2))

  @pl.when(isp3)
  def _():
    pltpu.sync_copy(head_hbm, head_v)

  pltpu.sync_copy(idx_hbm.at[pl.ds(tid * RPT, RPT)], idx_v)
  pltpu.async_copy(w_hbm.at[idx_v], rows_v, sem).wait()

  def p1_body(r, carry):
    ch = [rows_v[r, pl.ds(c * L, L)] for c in range(NCH)]
    s = tuple(carry[c] + ch[c] for c in range(NCH))
    q = carry[NCH]
    for c in range(NCH):
      q = q + ch[c] * ch[c]
    return s + (q,)

  @pl.when(cnt > 0)
  def _():
    carry = lax.fori_loop(0, cnt, p1_body, (zero,) * (NCH + 1))
    for c in range(NCH + 1):
      part_v[pl.ds(c * L, L)] = carry[c]
    pltpu.sync_copy(part_v, spmem1.at[pl.ds(tid * PART, PART)])

  plsc.subcore_barrier()

  def rsqrt16(x):
    i = plsc.bitcast(x, jnp.int32)
    i = jnp.int32(0x5F3759DF) - lax.shift_right_logical(i, 1)
    y = plsc.bitcast(i, jnp.float32)
    for _ in range(3):
      y = y * (1.5 - 0.5 * x * y * y)
    return y

  def exp_dot(rv, r, p):
    d = rv[r, pl.ds(0, L)] * p[0]
    for c in range(1, NCH):
      d = d + rv[r, pl.ds(c * L, L)] * p[c]
    return jnp.exp(jnp.broadcast_to(jnp.sum(d), (L,)))

  @pl.when(cnt > 0)
  def _():
    pltpu.sync_copy(spmem1.at[pl.ds(lo * PART, _FETCH)], slab_v)

    def pie_body(s_, carry):
      return tuple(carry[c] + slab_v[pl.ds(s_ * PART + c * L, L)]
                   for c in range(NCH + 1))

    tot = lax.fori_loop(0, grp, pie_body, (zero,) * (NCH + 1))
    rinv = rsqrt16(jnp.broadcast_to(jnp.sum(tot[NCH]), (L,)))
    pie = tuple(tot[c] * rinv for c in range(NCH))

    acc = lax.fori_loop(0, cnt, lambda r, a: a + exp_dot(rows_v, r, pie), zero)
    part2_v[...] = acc
    cp = pltpu.async_copy(part2_v, spmem2.at[pl.ds(tid * L, L)], sem)

    @pl.when(is_leader)
    def _():
      for c in range(NCH):
        pie_v[pl.ds(c * L, L)] = pie[c]
      pltpu.sync_copy(pie_v, spmem2.at[pl.ds(_PIE_OFF + leader_ix * DIM, DIM)])

    cp.wait()

  plsc.subcore_barrier()

  @pl.when(isp3)
  def _():
    pltpu.sync_copy(spmem2, slab2_v)
    dn = slab2_v[pl.ds(0, L)]
    for t in range(1, 10):
      dn = dn + slab2_v[pl.ds(t * L, L)]
    dp = (slab2_v[pl.ds(10 * L, L)] + slab2_v[pl.ds(11 * L, L)]
          + slab2_v[pl.ds(12 * L, L)])
    de = slab2_v[pl.ds(13 * L, L)]

    def numer(li):
      pl_ = tuple(slab2_v[pl.ds(_PIE_OFF + li * DIM + c * L, L)]
                  for c in range(NCH))
      return exp_dot(rows_v, 0, pl_)

    pn = numer(0) / dn
    pp = numer(1) / dp
    pe = numer(2) / de
    lane = lax.iota(jnp.int32, L)
    one = zero + 1.0
    pvec = jnp.where(lane == 0, pn,
                     jnp.where(lane == 1, pp,
                               jnp.where(lane == 2, pe,
                                         jnp.where(lane == 3, one, zero))))
    gw = jnp.broadcast_to(jnp.sum(pvec * head_v[...]), (L,))
    out_v[pl.ds(0, L)] = gw
    out_v[pl.ds(L, L)] = 1.0 - gw
    pltpu.sync_copy(out_v, out_hbm)


_sc_kernel = functools.partial(
    pl.kernel,
    out_type=(jax.ShapeDtypeStruct((2 * L,), jnp.float32),),
    mesh=plsc.VectorSubcoreMesh(core_axis_name="c", subcore_axis_name="s",
                                num_cores=1, num_subcores=16),
    scratch_types=[
        pltpu.VMEM((RPT,), jnp.int32),
        pltpu.VMEM((RPT, DIM), jnp.float32),
        pltpu.VMEM((PART,), jnp.float32),
        pltpu.VMEM((DIM,), jnp.float32),
        pltpu.VMEM((_FETCH,), jnp.float32),
        pltpu.VMEM((L,), jnp.float32),
        pltpu.VMEM((_SP2,), jnp.float32),
        pltpu.VMEM((L,), jnp.float32),
        pltpu.VMEM((2 * L,), jnp.float32),
        pltpu.VMEM_SHARED((_SP1,), jnp.float32),
        pltpu.VMEM_SHARED((_SP2,), jnp.float32),
        pltpu.SemaphoreType.DMA,
    ],
    compiler_params=pltpu.CompilerParams(needs_layout_passes=False),
)(_sc_body)


def kernel(entity_id, neighbor_ids, path_ids, edge_ids, W, Lw, Lb):
  n = neighbor_ids.astype(jnp.int32)
  p = path_ids.astype(jnp.int32)
  e = edge_ids.astype(jnp.int32)
  s = entity_id.astype(jnp.int32)
  rows_n = jnp.pad(n.reshape(10, 20), ((0, 0), (0, RPT - 20)))
  rows_p = jnp.stack([
      jnp.pad(p[0:17], (0, RPT - 17)),
      jnp.pad(p[17:34], (0, RPT - 17)),
      jnp.pad(p[34:50], (0, RPT - 16)),
  ])
  rows_e = jnp.pad(e.reshape(1, 20), ((0, 0), (0, RPT - 20)))
  rows_s = jnp.pad(s.reshape(1, 1), ((0, 0), (0, RPT - 1)))
  idx_mat = jnp.concatenate(
      [rows_n, rows_p, rows_e, rows_s, jnp.zeros((1, RPT), jnp.int32)],
      axis=0).reshape(16 * RPT)
  head = jnp.concatenate(
      [Lw.astype(jnp.float32).reshape(3), Lb.astype(jnp.float32).reshape(1),
       jnp.zeros((L - 4,), jnp.float32)])
  out, = _sc_kernel(idx_mat, W.astype(jnp.float32), head)
  return (out[0:1], out[L:L + 1])

# --- scband reference (transcript-rebuilt; emitter-appended) ---
"""Pipeline reference for scband-gake-13443247637253 (READ-ONLY COPY).

The authoritative reference and input builder live on the scoring server;
editing this copy changes nothing except your own understanding.
"""

import jax, jax.numpy as jnp
import numpy as np

ENT = 100000
REL = 1000
DIM = 128


def setup_inputs(seed: int = 0) -> dict:
    key = jax.random.key(seed)
    k1, k2, k3, k4, k5, k6 = jax.random.split(key, 6)
    return {
        "entity_id": jax.random.randint(k1, (1,), 0, ENT),
        "neighbor_ids": jax.random.randint(k2, (200,), 0, ENT),
        "path_ids": jax.random.randint(k3, (50,), 0, ENT),
        "edge_ids": jax.random.randint(k4, (20,), 0, ENT + REL),
        "W": jax.random.normal(k5, (ENT + REL, DIM), dtype=jnp.float32) * 0.1,
        "Lw": jax.random.normal(k6, (1, 3), dtype=jnp.float32) * 0.1,
        "Lb": jnp.zeros((1,), dtype=jnp.float32),
    }


def _get_p(W, si_id, ctx_ids):
    # embedding gather for context ids
    si_context_emb = jnp.take(W, ctx_ids, axis=0)  # [C, dim]
    # torch.norm(x, p=2) on a matrix = Frobenius norm of whole tensor
    context_pie = jnp.sum(si_context_emb, axis=0) / jnp.linalg.norm(si_context_emb)  # [dim]

    def cacu_exp(node_ids):
        nodes_emb = jnp.take(W, node_ids, axis=0)  # [K, dim]
        return jnp.exp(nodes_emb @ context_pie[:, None])  # [K, 1]

    p = cacu_exp(si_id) / jnp.sum(cacu_exp(ctx_ids))  # [1, 1]
    return p


def reference(entity_id, neighbor_ids, path_ids, edge_ids, W, Lw, Lb):
    _neighbors_p = _get_p(W, entity_id, neighbor_ids)  # [1,1]
    _paths_p = _get_p(W, entity_id, path_ids)  # [1,1]
    _edge_p = _get_p(W, entity_id, edge_ids)  # [1,1]
    feat = jnp.concatenate([_neighbors_p, _paths_p, _edge_p], axis=0).squeeze()  # [3]
    global_weight_p = feat @ Lw.T + Lb  # [1]
    loss = 1.0 - global_weight_p
    return (global_weight_p, loss)

if __name__ == "__main__":
    import jax
    _d = setup_inputs()
    print(jax.jit(kernel)(*tuple(_d.values())))

</pallas_src>

<mosaic_0001>
#map = affine_map<(d0, d1) -> (0)>
#map1 = affine_map<(d0, d1) -> (0, 0)>
module attributes {stable_mosaic.version = 14 : i64} {
  func.func @_sc_body(%arg0: i32, %arg1: i32, %arg2: memref<384xi32, #tpu.memory_space<hbm>>, %arg3: memref<101000x128xf32, #tpu.memory_space<hbm>>, %arg4: memref<16xf32, #tpu.memory_space<hbm>>, %arg5: memref<32xf32, #tpu.memory_space<hbm>>, %arg6: memref<24xi32, #tpu.memory_space<vmem>>, %arg7: memref<24x128xf32, #tpu.memory_space<vmem>>, %arg8: memref<144xf32, #tpu.memory_space<vmem>>, %arg9: memref<128xf32, #tpu.memory_space<vmem>>, %arg10: memref<1440xf32, #tpu.memory_space<vmem>>, %arg11: memref<16xf32, #tpu.memory_space<vmem>>, %arg12: memref<640xf32, #tpu.memory_space<vmem>>, %arg13: memref<16xf32, #tpu.memory_space<vmem>>, %arg14: memref<32xf32, #tpu.memory_space<vmem>>, %arg15: memref<3312xf32, #tpu.memory_space<vmem_shared>>, %arg16: memref<640xf32, #tpu.memory_space<vmem_shared>>, %arg17: memref<!tpu.dma_semaphore, #tpu.memory_space<semaphore_mem>>) attributes {dimension_semantics = [#tpu.dimension_semantics<core_parallel>, #tpu.dimension_semantics<subcore_parallel>], iteration_bounds = array<i64: 1, 16>, scalar_prefetch = 0 : i64, scratch_operands = 12 : i64, tpu.core_type = #tpu.core_type<sc_vector_subcore>, window_params = [{transform_indices = #map}, {transform_indices = #map1}, {transform_indices = #map}, {transform_indices = #map}]} {
    %broadcast_in_dim3A = arith.constant 0.000000e+00 : f32
    %broadcast_in_dim3A_0 = vector.broadcast %broadcast_in_dim3A : f32 to vector<16xf32>
    %eq3A = arith.constant 14 : i32
    %eq3A_1 = arith.cmpi eq, %arg1, %eq3A : i32
    %eq3A_2 = arith.constant 0 : i32
    %eq3A_3 = arith.cmpi eq, %arg0, %eq3A_2 : i32
    %and3A = arith.andi %eq3A_1, %eq3A_3 : i1
    %lt3A = arith.constant 10 : i32
    %lt3A_4 = arith.cmpi slt, %arg1, %lt3A : i32
    %lt3A_5 = arith.constant 12 : i32
    %lt3A_6 = arith.cmpi slt, %arg1, %lt3A_5 : i32
    %eq3A_7 = arith.constant 12 : i32
    %eq3A_8 = arith.cmpi eq, %arg1, %eq3A_7 : i32
    %eq3A_9 = arith.constant 13 : i32
    %eq3A_10 = arith.cmpi eq, %arg1, %eq3A_9 : i32
    %jit3A = arith.constant 20 : i32
    %jit3A_11 = arith.constant 0 : i32
    %select_n3A = arith.select %eq3A_10, %jit3A, %jit3A_11 : i32
    %jit3A_12 = arith.constant 16 : i32
    %select_n3A_13 = arith.select %eq3A_8, %jit3A_12, %select_n3A : i32
    %jit3A_14 = arith.constant 17 : i32
    %select_n3A_15 = arith.select %lt3A_6, %jit3A_14, %select_n3A_13 : i32
    %jit3A_16 = arith.constant 20 : i32
    %select_n3A_17 = arith.select %lt3A_4, %jit3A_16, %select_n3A_15 : i32
    %lt3A_18 = arith.constant 10 : i32
    %lt3A_19 = arith.cmpi slt, %arg1, %lt3A_18 : i32
    %lt3A_20 = arith.constant 13 : i32
    %lt3A_21 = arith.cmpi slt, %arg1, %lt3A_20 : i32
    %jit3A_22 = arith.constant 10 : i32
    %jit3A_23 = arith.constant 13 : i32
    %select_n3A_24 = arith.select %lt3A_21, %jit3A_22, %jit3A_23 : i32
    %jit3A_25 = arith.constant 0 : i32
    %select_n3A_26 = arith.select %lt3A_19, %jit3A_25, %select_n3A_24 : i32
    %lt3A_27 = arith.constant 10 : i32
    %lt3A_28 = arith.cmpi slt, %arg1, %lt3A_27 : i32
    %lt3A_29 = arith.constant 13 : i32
    %lt3A_30 = arith.cmpi slt, %arg1, %lt3A_29 : i32
    %eq3A_31 = arith.constant 13 : i32
    %eq3A_32 = arith.cmpi eq, %arg1, %eq3A_31 : i32
    %jit3A_33 = arith.constant 1 : i32
    %jit3A_34 = arith.constant 0 : i32
    %select_n3A_35 = arith.select %eq3A_32, %jit3A_33, %jit3A_34 : i32
    %jit3A_36 = arith.constant 3 : i32
    %select_n3A_37 = arith.select %lt3A_30, %jit3A_36, %select_n3A_35 : i32
    %jit3A_38 = arith.constant 10 : i32
    %select_n3A_39 = arith.select %lt3A_28, %jit3A_38, %select_n3A_37 : i32
    %eq3A_40 = arith.constant 0 : i32
    %eq3A_41 = arith.cmpi eq, %arg1, %eq3A_40 : i32
    %eq3A_42 = arith.constant 10 : i32
    %eq3A_43 = arith.cmpi eq, %arg1, %eq3A_42 : i32
    %eq3A_44 = arith.constant 13 : i32
    %eq3A_45 = arith.cmpi eq, %arg1, %eq3A_44 : i32
    %or3A = arith.ori %eq3A_43, %eq3A_45 : i1
    %or3A_46 = arith.ori %eq3A_41, %or3A : i1
    %eq3A_47 = arith.constant 0 : i32
    %eq3A_48 = arith.cmpi eq, %arg1, %eq3A_47 : i32
    %eq3A_49 = arith.constant 10 : i32
    %eq3A_50 = arith.cmpi eq, %arg1, %eq3A_49 : i32
    %jit3A_51 = arith.constant 1 : i32
    %jit3A_52 = arith.constant 2 : i32
    %select_n3A_53 = arith.select %eq3A_50, %jit3A_51, %jit3A_52 : i32
    %jit3A_54 = arith.constant 0 : i32
    %select_n3A_55 = arith.select %eq3A_48, %jit3A_54, %select_n3A_53 : i32
    %convert_element_type3A = arith.extui %and3A : i1 to i32
    %cond3A = arith.constant 0 : i32
    %cond3A_56 = arith.cmpi ne, %convert_element_type3A, %cond3A : i32
    scf.if %cond3A_56 {
      "tpu.region"() ({
        %run_scoped3A = tpu.sem_alloc : memref<!tpu.dma_semaphore, #tpu.memory_space<semaphore_mem>>
        tpu.enqueue_dma source(%arg4 : memref<16xf32, #tpu.memory_space<hbm>>) target(%arg13 : memref<16xf32, #tpu.memory_space<vmem>>) target_semaphore(%run_scoped3A : memref<!tpu.dma_semaphore, #tpu.memory_space<semaphore_mem>>)
        tpu.wait_dma2 semaphore(%run_scoped3A : memref<!tpu.dma_semaphore, #tpu.memory_space<semaphore_mem>>) src(%arg4 : memref<16xf32, #tpu.memory_space<hbm>>) dst(%arg13 : memref<16xf32, #tpu.memory_space<vmem>>)
        tpu.yield
      }) : () -> ()
    } else {
    }
    %mul3A = arith.constant 24 : i32
    %mul3A_57 = arith.muli %arg1, %mul3A : i32
    "tpu.region"() ({
      %run_scoped3A = tpu.sem_alloc : memref<!tpu.dma_semaphore, #tpu.memory_space<semaphore_mem>>
      %dma_start3A_75 = tpu.memref_slice %arg2[%mul3A_57] : memref<384xi32, #tpu.memory_space<hbm>> -> memref<24xi32, #tpu.memory_space<hbm>>
      %dma_start3A_76 = tpu.memref_slice %arg2[%mul3A_57] : memref<384xi32, #tpu.memory_space<hbm>> -> memref<24xi32, #tpu.memory_space<hbm>>
      tpu.enqueue_dma source(%dma_start3A_76 : memref<24xi32, #tpu.memory_space<hbm>>) target(%arg6 : memref<24xi32, #tpu.memory_space<vmem>>) target_semaphore(%run_scoped3A : memref<!tpu.dma_semaphore, #tpu.memory_space<semaphore_mem>>)
      %dma_wait3A_77 = tpu.memref_slice %arg2[%mul3A_57] : memref<384xi32, #tpu.memory_space<hbm>> -> memref<24xi32, #tpu.memory_space<hbm>>
      %dma_wait3A_78 = tpu.memref_slice %arg2[%mul3A_57] : memref<384xi32, #tpu.memory_space<hbm>> -> memref<24xi32, #tpu.memory_space<hbm>>
      tpu.wait_dma2 semaphore(%run_scoped3A : memref<!tpu.dma_semaphore, #tpu.memory_space<semaphore_mem>>) src(%dma_wait3A_78 : memref<24xi32, #tpu.memory_space<hbm>>) dst(%arg6 : memref<24xi32, #tpu.memory_space<vmem>>)
      tpu.yield
    }) : () -> ()
    %dma_start3A = arith.constant 0 : i32
    %dma_start3A_58 = arith.constant 0 : i32
    %dma_start3A_59 = tpu.memref_slice %arg3[%dma_start3A, %dma_start3A_58] : memref<101000x128xf32, #tpu.memory_space<hbm>> -> memref<101000x128xf32, #tpu.memory_space<hbm>>
    tpu.enqueue_indirect_dma source(%dma_start3A_59 : memref<101000x128xf32, #tpu.memory_space<hbm>>) target(%arg7 : memref<24x128xf32, #tpu.memory_space<vmem>>) offsets(%arg6 : memref<24xi32, #tpu.memory_space<vmem>>) semaphore(%arg17 : memref<!tpu.dma_semaphore, #tpu.memory_space<semaphore_mem>>)
    %dma_wait3A = arith.constant 0 : i32
    %dma_wait3A_60 = arith.constant 0 : i32
    %dma_wait3A_61 = tpu.memref_slice %arg3[%dma_wait3A, %dma_wait3A_60] : memref<101000x128xf32, #tpu.memory_space<hbm>> -> memref<101000x128xf32, #tpu.memory_space<hbm>>
    tpu.wait_indirect_dma semaphore(%arg17 : memref<!tpu.dma_semaphore, #tpu.memory_space<semaphore_mem>>) src(%dma_wait3A_61 : memref<101000x128xf32, #tpu.memory_space<hbm>>) dst(%arg7 : memref<24x128xf32, #tpu.memory_space<vmem>>)
    %gt3A = arith.constant 0 : i32
    %gt3A_62 = arith.cmpi sgt, %select_n3A_17, %gt3A : i32
    %convert_element_type3A_63 = arith.extui %gt3A_62 : i1 to i32
    %cond3A_64 = arith.constant 0 : i32
    %cond3A_65 = arith.cmpi ne, %convert_element_type3A_63, %cond3A_64 : i32
    scf.if %cond3A_65 {
      %while3A = arith.constant 0 : i32
      %while3A_75 = arith.subi %select_n3A_17, %while3A : i32
      %while3A_76 = arith.addi %while3A, %while3A_75 : i32
      %while3A_77 = arith.constant 1 : i32
      %while3A_78 = arith.divsi %while3A_75, %while3A_77 : i32
      %while3A_79 = arith.muli %while3A_78, %while3A_77 : i32
      %while3A_80 = arith.addi %while3A, %while3A_79 : i32
      %while3A_81 = arith.constant 1 : i32
      %while3A_82:9 = scf.for %while3A_104 = %while3A to %while3A_80 step %while3A_81 iter_args(%while3A_105 = %broadcast_in_dim3A_0, %while3A_106 = %broadcast_in_dim3A_0, %while3A_107 = %broadcast_in_dim3A_0, %while3A_108 = %broadcast_in_dim3A_0, %while3A_109 = %broadcast_in_dim3A_0, %while3A_110 = %broadcast_in_dim3A_0, %while3A_111 = %broadcast_in_dim3A_0, %while3A_112 = %broadcast_in_dim3A_0, %while3A_113 = %broadcast_in_dim3A_0) -> (vector<16xf32>, vector<16xf32>, vector<16xf32>, vector<16xf32>, vector<16xf32>, vector<16xf32>, vector<16xf32>, vector<16xf32>, vector<16xf32>)  : i32 {
        %get3A = arith.index_cast %while3A_104 : i32 to index
        %get3A_114 = arith.constant 0 : index
        %get3A_115 = tpu.vector_load %arg7[%get3A, %get3A_114] {strides = array<i32>} : memref<24x128xf32, #tpu.memory_space<vmem>>, vector<16xf32>,
        %get3A_116 = arith.index_cast %while3A_104 : i32 to index
        %get3A_117 = arith.constant 16 : index
        %get3A_118 = tpu.vector_load %arg7[%get3A_116, %get3A_117] {strides = array<i32>} : memref<24x128xf32, #tpu.memory_space<vmem>>, vector<16xf32>,
        %get3A_119 = arith.index_cast %while3A_104 : i32 to index
        %get3A_120 = arith.constant 32 : index
        %get3A_121 = tpu.vector_load %arg7[%get3A_119, %get3A_120] {strides = array<i32>} : memref<24x128xf32, #tpu.memory_space<vmem>>, vector<16xf32>,
        %get3A_122 = arith.index_cast %while3A_104 : i32 to index
        %get3A_123 = arith.constant 48 : index
        %get3A_124 = tpu.vector_load %arg7[%get3A_122, %get3A_123] {strides = array<i32>} : memref<24x128xf32, #tpu.memory_space<vmem>>, vector<16xf32>,
        %get3A_125 = arith.index_cast %while3A_104 : i32 to index
        %get3A_126 = arith.constant 64 : index
        %get3A_127 = tpu.vector_load %arg7[%get3A_125, %get3A_126] {strides = array<i32>} : memref<24x128xf32, #tpu.memory_space<vmem>>, vector<16xf32>,
        %get3A_128 = arith.index_cast %while3A_104 : i32 to index
        %get3A_129 = arith.constant 80 : index
        %get3A_130 = tpu.vector_load %arg7[%get3A_128, %get3A_129] {strides = array<i32>} : memref<24x128xf32, #tpu.memory_space<vmem>>, vector<16xf32>,
        %get3A_131 = arith.index_cast %while3A_104 : i32 to index
        %get3A_132 = arith.constant 96 : index
        %get3A_133 = tpu.vector_load %arg7[%get3A_131, %get3A_132] {strides = array<i32>} : memref<24x128xf32, #tpu.memory_space<vmem>>, vector<16xf32>,
        %get3A_134 = arith.index_cast %while3A_104 : i32 to index
        %get3A_135 = arith.constant 112 : index
        %get3A_136 = tpu.vector_load %arg7[%get3A_134, %get3A_135] {strides = array<i32>} : memref<24x128xf32, #tpu.memory_space<vmem>>, vector<16xf32>,
        %add3A = arith.addf %while3A_105, %get3A_115 : vector<16xf32>
        %add3A_137 = arith.addf %while3A_106, %get3A_118 : vector<16xf32>
        %add3A_138 = arith.addf %while3A_107, %get3A_121 : vector<16xf32>
        %add3A_139 = arith.addf %while3A_108, %get3A_124 : vector<16xf32>
        %add3A_140 = arith.addf %while3A_109, %get3A_127 : vector<16xf32>
        %add3A_141 = arith.addf %while3A_110, %get3A_130 : vector<16xf32>
        %add3A_142 = arith.addf %while3A_111, %get3A_133 : vector<16xf32>
        %add3A_143 = arith.addf %while3A_112, %get3A_136 : vector<16xf32>
        %mul3A_144 = arith.mulf %get3A_115, %get3A_115 : vector<16xf32>
        %add3A_145 = arith.addf %while3A_113, %mul3A_144 : vector<16xf32>
        %mul3A_146 = arith.mulf %get3A_118, %get3A_118 : vector<16xf32>
        %add3A_147 = arith.addf %add3A_145, %mul3A_146 : vector<16xf32>
        %mul3A_148 = arith.mulf %get3A_121, %get3A_121 : vector<16xf32>
        %add3A_149 = arith.addf %add3A_147, %mul3A_148 : vector<16xf32>
        %mul3A_150 = arith.mulf %get3A_124, %get3A_124 : vector<16xf32>
        %add3A_151 = arith.addf %add3A_149, %mul3A_150 : vector<16xf32>
        %mul3A_152 = arith.mulf %get3A_127, %get3A_127 : vector<16xf32>
        %add3A_153 = arith.addf %add3A_151, %mul3A_152 : vector<16xf32>
        %mul3A_154 = arith.mulf %get3A_130, %get3A_130 : vector<16xf32>
        %add3A_155 = arith.addf %add3A_153, %mul3A_154 : vector<16xf32>
        %mul3A_156 = arith.mulf %get3A_133, %get3A_133 : vector<16xf32>
        %add3A_157 = arith.addf %add3A_155, %mul3A_156 : vector<16xf32>
        %mul3A_158 = arith.mulf %get3A_136, %get3A_136 : vector<16xf32>
        %add3A_159 = arith.addf %add3A_157, %mul3A_158 : vector<16xf32>
        scf.yield %add3A, %add3A_137, %add3A_138, %add3A_139, %add3A_140, %add3A_141, %add3A_142, %add3A_143, %add3A_159 : vector<16xf32>, vector<16xf32>, vector<16xf32>, vector<16xf32>, vector<16xf32>, vector<16xf32>, vector<16xf32>, vector<16xf32>, vector<16xf32>
      }
      %while3A_83 = arith.constant 1 : i32
      %while3A_84:9 = scf.for %while3A_104 = %while3A_80 to %while3A_76 step %while3A_83 iter_args(%while3A_105 = %while3A_82#0, %while3A_106 = %while3A_82#1, %while3A_107 = %while3A_82#2, %while3A_108 = %while3A_82#3, %while3A_109 = %while3A_82#4, %while3A_110 = %while3A_82#5, %while3A_111 = %while3A_82#6, %while3A_112 = %while3A_82#7, %while3A_113 = %while3A_82#8) -> (vector<16xf32>, vector<16xf32>, vector<16xf32>, vector<16xf32>, vector<16xf32>, vector<16xf32>, vector<16xf32>, vector<16xf32>, vector<16xf32>)  : i32 {
        %get3A = arith.index_cast %while3A_104 : i32 to index
        %get3A_114 = arith.constant 0 : index
        %get3A_115 = tpu.vector_load %arg7[%get3A, %get3A_114] {strides = array<i32>} : memref<24x128xf32, #tpu.memory_space<vmem>>, vector<16xf32>,
        %get3A_116 = arith.index_cast %while3A_104 : i32 to index
        %get3A_117 = arith.constant 16 : index
        %get3A_118 = tpu.vector_load %arg7[%get3A_116, %get3A_117] {strides = array<i32>} : memref<24x128xf32, #tpu.memory_space<vmem>>, vector<16xf32>,
        %get3A_119 = arith.index_cast %while3A_104 : i32 to index
        %get3A_120 = arith.constant 32 : index
        %get3A_121 = tpu.vector_load %arg7[%get3A_119, %get3A_120] {strides = array<i32>} : memref<24x128xf32, #tpu.memory_space<vmem>>, vector<16xf32>,
        %get3A_122 = arith.index_cast %while3A_104 : i32 to index
        %get3A_123 = arith.constant 48 : index
        %get3A_124 = tpu.vector_load %arg7[%get3A_122, %get3A_123] {strides = array<i32>} : memref<24x128xf32, #tpu.memory_space<vmem>>, vector<16xf32>,
        %get3A_125 = arith.index_cast %while3A_104 : i32 to index
        %get3A_126 = arith.constant 64 : index
        %get3A_127 = tpu.vector_load %arg7[%get3A_125, %get3A_126] {strides = array<i32>} : memref<24x128xf32, #tpu.memory_space<vmem>>, vector<16xf32>,
        %get3A_128 = arith.index_cast %while3A_104 : i32 to index
        %get3A_129 = arith.constant 80 : index
        %get3A_130 = tpu.vector_load %arg7[%get3A_128, %get3A_129] {strides = array<i32>} : memref<24x128xf32, #tpu.memory_space<vmem>>, vector<16xf32>,
        %get3A_131 = arith.index_cast %while3A_104 : i32 to index
        %get3A_132 = arith.constant 96 : index
        %get3A_133 = tpu.vector_load %arg7[%get3A_131, %get3A_132] {strides = array<i32>} : memref<24x128xf32, #tpu.memory_space<vmem>>, vector<16xf32>,
        %get3A_134 = arith.index_cast %while3A_104 : i32 to index
        %get3A_135 = arith.constant 112 : index
        %get3A_136 = tpu.vector_load %arg7[%get3A_134, %get3A_135] {strides = array<i32>} : memref<24x128xf32, #tpu.memory_space<vmem>>, vector<16xf32>,
        %add3A = arith.addf %while3A_105, %get3A_115 : vector<16xf32>
        %add3A_137 = arith.addf %while3A_106, %get3A_118 : vector<16xf32>
        %add3A_138 = arith.addf %while3A_107, %get3A_121 : vector<16xf32>
        %add3A_139 = arith.addf %while3A_108, %get3A_124 : vector<16xf32>
        %add3A_140 = arith.addf %while3A_109, %get3A_127 : vector<16xf32>
        %add3A_141 = arith.addf %while3A_110, %get3A_130 : vector<16xf32>
        %add3A_142 = arith.addf %while3A_111, %get3A_133 : vector<16xf32>
        %add3A_143 = arith.addf %while3A_112, %get3A_136 : vector<16xf32>
        %mul3A_144 = arith.mulf %get3A_115, %get3A_115 : vector<16xf32>
        %add3A_145 = arith.addf %while3A_113, %mul3A_144 : vector<16xf32>
        %mul3A_146 = arith.mulf %get3A_118, %get3A_118 : vector<16xf32>
        %add3A_147 = arith.addf %add3A_145, %mul3A_146 : vector<16xf32>
        %mul3A_148 = arith.mulf %get3A_121, %get3A_121 : vector<16xf32>
        %add3A_149 = arith.addf %add3A_147, %mul3A_148 : vector<16xf32>
        %mul3A_150 = arith.mulf %get3A_124, %get3A_124 : vector<16xf32>
        %add3A_151 = arith.addf %add3A_149, %mul3A_150 : vector<16xf32>
        %mul3A_152 = arith.mulf %get3A_127, %get3A_127 : vector<16xf32>
        %add3A_153 = arith.addf %add3A_151, %mul3A_152 : vector<16xf32>
        %mul3A_154 = arith.mulf %get3A_130, %get3A_130 : vector<16xf32>
        %add3A_155 = arith.addf %add3A_153, %mul3A_154 : vector<16xf32>
        %mul3A_156 = arith.mulf %get3A_133, %get3A_133 : vector<16xf32>
        %add3A_157 = arith.addf %add3A_155, %mul3A_156 : vector<16xf32>
        %mul3A_158 = arith.mulf %get3A_136, %get3A_136 : vector<16xf32>
        %add3A_159 = arith.addf %add3A_157, %mul3A_158 : vector<16xf32>
        scf.yield %add3A, %add3A_137, %add3A_138, %add3A_139, %add3A_140, %add3A_141, %add3A_142, %add3A_143, %add3A_159 : vector<16xf32>, vector<16xf32>, vector<16xf32>, vector<16xf32>, vector<16xf32>, vector<16xf32>, vector<16xf32>, vector<16xf32>, vector<16xf32>
      }
      %swap3A = arith.constant 0 : index
      %swap3A_85 = tpu.vector_load %arg8[%swap3A] {strides = array<i32>} : memref<144xf32, #tpu.memory_space<vmem>>, vector<16xf32>,
      tpu.vector_store %arg8[%swap3A], %while3A_84#0 {strides = array<i32>} : memref<144xf32, #tpu.memory_space<vmem>>, vector<16xf32>,
      %swap3A_86 = arith.constant 16 : index
      %swap3A_87 = tpu.vector_load %arg8[%swap3A_86] {strides = array<i32>} : memref<144xf32, #tpu.memory_space<vmem>>, vector<16xf32>,
      tpu.vector_store %arg8[%swap3A_86], %while3A_84#1 {strides = array<i32>} : memref<144xf32, #tpu.memory_space<vmem>>, vector<16xf32>,
      %swap3A_88 = arith.constant 32 : index
      %swap3A_89 = tpu.vector_load %arg8[%swap3A_88] {strides = array<i32>} : memref<144xf32, #tpu.memory_space<vmem>>, vector<16xf32>,
      tpu.vector_store %arg8[%swap3A_88], %while3A_84#2 {strides = array<i32>} : memref<144xf32, #tpu.memory_space<vmem>>, vector<16xf32>,
      %swap3A_90 = arith.constant 48 : index
      %swap3A_91 = tpu.vector_load %arg8[%swap3A_90] {strides = array<i32>} : memref<144xf32, #tpu.memory_space<vmem>>, vector<16xf32>,
      tpu.vector_store %arg8[%swap3A_90], %while3A_84#3 {strides = array<i32>} : memref<144xf32, #tpu.memory_space<vmem>>, vector<16xf32>,
      %swap3A_92 = arith.constant 64 : index
      %swap3A_93 = tpu.vector_load %arg8[%swap3A_92] {strides = array<i32>} : memref<144xf32, #tpu.memory_space<vmem>>, vector<16xf32>,
      tpu.vector_store %arg8[%swap3A_92], %while3A_84#4 {strides = array<i32>} : memref<144xf32, #tpu.memory_space<vmem>>, vector<16xf32>,
      %swap3A_94 = arith.constant 80 : index
      %swap3A_95 = tpu.vector_load %arg8[%swap3A_94] {strides = array<i32>} : memref<144xf32, #tpu.memory_space<vmem>>, vector<16xf32>,
      tpu.vector_store %arg8[%swap3A_94], %while3A_84#5 {strides = array<i32>} : memref<144xf32, #tpu.memory_space<vmem>>, vector<16xf32>,
      %swap3A_96 = arith.constant 96 : index
      %swap3A_97 = tpu.vector_load %arg8[%swap3A_96] {strides = array<i32>} : memref<144xf32, #tpu.memory_space<vmem>>, vector<16xf32>,
      tpu.vector_store %arg8[%swap3A_96], %while3A_84#6 {strides = array<i32>} : memref<144xf32, #tpu.memory_space<vmem>>, vector<16xf32>,
      %swap3A_98 = arith.constant 112 : index
      %swap3A_99 = tpu.vector_load %arg8[%swap3A_98] {strides = array<i32>} : memref<144xf32, #tpu.memory_space<vmem>>, vector<16xf32>,
      tpu.vector_store %arg8[%swap3A_98], %while3A_84#7 {strides = array<i32>} : memref<144xf32, #tpu.memory_space<vmem>>, vector<16xf32>,
      %swap3A_100 = arith.constant 128 : index
      %swap3A_101 = tpu.vector_load %arg8[%swap3A_100] {strides = array<i32>} : memref<144xf32, #tpu.memory_space<vmem>>, vector<16xf32>,
      tpu.vector_store %arg8[%swap3A_100], %while3A_84#8 {strides = array<i32>} : memref<144xf32, #tpu.memory_space<vmem>>, vector<16xf32>,
      %mul3A_102 = arith.constant 144 : i32
      %mul3A_103 = arith.muli %arg1, %mul3A_102 : i32
      "tpu.region"() ({
        %run_scoped3A = tpu.sem_alloc : memref<!tpu.dma_semaphore, #tpu.memory_space<semaphore_mem>>
        %dma_start3A_104 = tpu.memref_slice %arg15[%mul3A_103] : memref<3312xf32, #tpu.memory_space<vmem_shared>> -> memref<144xf32, #tpu.memory_space<vmem_shared>>
        %dma_start3A_105 = tpu.memref_slice %arg15[%mul3A_103] : memref<3312xf32, #tpu.memory_space<vmem_shared>> -> memref<144xf32, #tpu.memory_space<vmem_shared>>
        tpu.enqueue_dma source(%arg8 : memref<144xf32, #tpu.memory_space<vmem>>) target(%dma_start3A_105 : memref<144xf32, #tpu.memory_space<vmem_shared>>) target_semaphore(%run_scoped3A : memref<!tpu.dma_semaphore, #tpu.memory_space<semaphore_mem>>)
        %dma_wait3A_106 = tpu.memref_slice %arg15[%mul3A_103] : memref<3312xf32, #tpu.memory_space<vmem_shared>> -> memref<144xf32, #tpu.memory_space<vmem_shared>>
        %dma_wait3A_107 = tpu.memref_slice %arg15[%mul3A_103] : memref<3312xf32, #tpu.memory_space<vmem_shared>> -> memref<144xf32, #tpu.memory_space<vmem_shared>>
        tpu.wait_dma2 semaphore(%run_scoped3A : memref<!tpu.dma_semaphore, #tpu.memory_space<semaphore_mem>>) src(%arg8 : memref<144xf32, #tpu.memory_space<vmem>>) dst(%dma_wait3A_107 : memref<144xf32, #tpu.memory_space<vmem_shared>>)
        tpu.yield
      }) : () -> ()
    } else {
    }
    %barrier3A = arith.constant 0 : index
    tpu.barrier barrier_id(%barrier3A)
    %gt3A_66 = arith.constant 0 : i32
    %gt3A_67 = arith.cmpi sgt, %select_n3A_17, %gt3A_66 : i32
    %convert_element_type3A_68 = arith.extui %gt3A_67 : i1 to i32
    %cond3A_69 = arith.constant 0 : i32
    %cond3A_70 = arith.cmpi ne, %convert_element_type3A_68, %cond3A_69 : i32
    scf.if %cond3A_70 {
      %mul3A_75 = arith.constant 144 : i32
      %mul3A_76 = arith.muli %select_n3A_26, %mul3A_75 : i32
      "tpu.region"() ({
        %run_scoped3A = tpu.sem_alloc : memref<!tpu.dma_semaphore, #tpu.memory_space<semaphore_mem>>
        %dma_start3A_152 = tpu.memref_slice %arg15[%mul3A_76] : memref<3312xf32, #tpu.memory_space<vmem_shared>> -> memref<1440xf32, #tpu.memory_space<vmem_shared>>
        %dma_start3A_153 = tpu.memref_slice %arg15[%mul3A_76] : memref<3312xf32, #tpu.memory_space<vmem_shared>> -> memref<1440xf32, #tpu.memory_space<vmem_shared>>
        tpu.enqueue_dma source(%dma_start3A_153 : memref<1440xf32, #tpu.memory_space<vmem_shared>>) target(%arg10 : memref<1440xf32, #tpu.memory_space<vmem>>) target_semaphore(%run_scoped3A : memref<!tpu.dma_semaphore, #tpu.memory_space<semaphore_mem>>)
        %dma_wait3A_154 = tpu.memref_slice %arg15[%mul3A_76] : memref<3312xf32, #tpu.memory_space<vmem_shared>> -> memref<1440xf32, #tpu.memory_space<vmem_shared>>
        %dma_wait3A_155 = tpu.memref_slice %arg15[%mul3A_76] : memref<3312xf32, #tpu.memory_space<vmem_shared>> -> memref<1440xf32, #tpu.memory_space<vmem_shared>>
        tpu.wait_dma2 semaphore(%run_scoped3A : memref<!tpu.dma_semaphore, #tpu.memory_space<semaphore_mem>>) src(%dma_wait3A_155 : memref<1440xf32, #tpu.memory_space<vmem_shared>>) dst(%arg10 : memref<1440xf32, #tpu.memory_space<vmem>>)
        tpu.yield
      }) : () -> ()
      %while3A = arith.constant 0 : i32
      %while3A_77 = arith.subi %select_n3A_39, %while3A : i32
      %while3A_78 = arith.addi %while3A, %while3A_77 : i32
      %while3A_79 = arith.constant 1 : i32
      %while3A_80 = arith.divsi %while3A_77, %while3A_79 : i32
      %while3A_81 = arith.muli %while3A_80, %while3A_79 : i32
      %while3A_82 = arith.addi %while3A, %while3A_81 : i32
      %while3A_83 = arith.constant 1 : i32
      %while3A_84:9 = scf.for %while3A_152 = %while3A to %while3A_82 step %while3A_83 iter_args(%while3A_153 = %broadcast_in_dim3A_0, %while3A_154 = %broadcast_in_dim3A_0, %while3A_155 = %broadcast_in_dim3A_0, %while3A_156 = %broadcast_in_dim3A_0, %while3A_157 = %broadcast_in_dim3A_0, %while3A_158 = %broadcast_in_dim3A_0, %while3A_159 = %broadcast_in_dim3A_0, %while3A_160 = %broadcast_in_dim3A_0, %while3A_161 = %broadcast_in_dim3A_0) -> (vector<16xf32>, vector<16xf32>, vector<16xf32>, vector<16xf32>, vector<16xf32>, vector<16xf32>, vector<16xf32>, vector<16xf32>, vector<16xf32>)  : i32 {
        %mul3A_162 = arith.constant 144 : i32
        %mul3A_163 = arith.muli %while3A_152, %mul3A_162 : i32
        %add3A = arith.constant 0 : i32
        %add3A_164 = arith.addi %mul3A_163, %add3A : i32
        %get3A = arith.index_cast %add3A_164 : i32 to index
        %get3A_165 = tpu.vector_load %arg10[%get3A] {strides = array<i32>} : memref<1440xf32, #tpu.memory_space<vmem>>, vector<16xf32>,
        %add3A_166 = arith.addf %while3A_153, %get3A_165 : vector<16xf32>
        %mul3A_167 = arith.constant 144 : i32
        %mul3A_168 = arith.muli %while3A_152, %mul3A_167 : i32
        %add3A_169 = arith.constant 16 : i32
        %add3A_170 = arith.addi %mul3A_168, %add3A_169 : i32
        %get3A_171 = arith.index_cast %add3A_170 : i32 to index
        %get3A_172 = tpu.vector_load %arg10[%get3A_171] {strides = array<i32>} : memref<1440xf32, #tpu.memory_space<vmem>>, vector<16xf32>,
        %add3A_173 = arith.addf %while3A_154, %get3A_172 : vector<16xf32>
        %mul3A_174 = arith.constant 144 : i32
        %mul3A_175 = arith.muli %while3A_152, %mul3A_174 : i32
        %add3A_176 = arith.constant 32 : i32
        %add3A_177 = arith.addi %mul3A_175, %add3A_176 : i32
        %get3A_178 = arith.index_cast %add3A_177 : i32 to index
        %get3A_179 = tpu.vector_load %arg10[%get3A_178] {strides = array<i32>} : memref<1440xf32, #tpu.memory_space<vmem>>, vector<16xf32>,
        %add3A_180 = arith.addf %while3A_155, %get3A_179 : vector<16xf32>
        %mul3A_181 = arith.constant 144 : i32
        %mul3A_182 = arith.muli %while3A_152, %mul3A_181 : i32
        %add3A_183 = arith.constant 48 : i32
        %add3A_184 = arith.addi %mul3A_182, %add3A_183 : i32
        %get3A_185 = arith.index_cast %add3A_184 : i32 to index
        %get3A_186 = tpu.vector_load %arg10[%get3A_185] {strides = array<i32>} : memref<1440xf32, #tpu.memory_space<vmem>>, vector<16xf32>,
        %add3A_187 = arith.addf %while3A_156, %get3A_186 : vector<16xf32>
        %mul3A_188 = arith.constant 144 : i32
        %mul3A_189 = arith.muli %while3A_152, %mul3A_188 : i32
        %add3A_190 = arith.constant 64 : i32
        %add3A_191 = arith.addi %mul3A_189, %add3A_190 : i32
        %get3A_192 = arith.index_cast %add3A_191 : i32 to index
        %get3A_193 = tpu.vector_load %arg10[%get3A_192] {strides = array<i32>} : memref<1440xf32, #tpu.memory_space<vmem>>, vector<16xf32>,
        %add3A_194 = arith.addf %while3A_157, %get3A_193 : vector<16xf32>
        %mul3A_195 = arith.constant 144 : i32
        %mul3A_196 = arith.muli %while3A_152, %mul3A_195 : i32
        %add3A_197 = arith.constant 80 : i32
        %add3A_198 = arith.addi %mul3A_196, %add3A_197 : i32
        %get3A_199 = arith.index_cast %add3A_198 : i32 to index
        %get3A_200 = tpu.vector_load %arg10[%get3A_199] {strides = array<i32>} : memref<1440xf32, #tpu.memory_space<vmem>>, vector<16xf32>,
        %add3A_201 = arith.addf %while3A_158, %get3A_200 : vector<16xf32>
        %mul3A_202 = arith.constant 144 : i32
        %mul3A_203 = arith.muli %while3A_152, %mul3A_202 : i32
        %add3A_204 = arith.constant 96 : i32
        %add3A_205 = arith.addi %mul3A_203, %add3A_204 : i32
        %get3A_206 = arith.index_cast %add3A_205 : i32 to index
        %get3A_207 = tpu.vector_load %arg10[%get3A_206] {strides = array<i32>} : memref<1440xf32, #tpu.memory_space<vmem>>, vector<16xf32>,
        %add3A_208 = arith.addf %while3A_159, %get3A_207 : vector<16xf32>
        %mul3A_209 = arith.constant 144 : i32
        %mul3A_210 = arith.muli %while3A_152, %mul3A_209 : i32
        %add3A_211 = arith.constant 112 : i32
        %add3A_212 = arith.addi %mul3A_210, %add3A_211 : i32
        %get3A_213 = arith.index_cast %add3A_212 : i32 to index
        %get3A_214 = tpu.vector_load %arg10[%get3A_213] {strides = array<i32>} : memref<1440xf32, #tpu.memory_space<vmem>>, vector<16xf32>,
        %add3A_215 = arith.addf %while3A_160, %get3A_214 : vector<16xf32>
        %mul3A_216 = arith.constant 144 : i32
        %mul3A_217 = arith.muli %while3A_152, %mul3A_216 : i32
        %add3A_218 = arith.constant 128 : i32
        %add3A_219 = arith.addi %mul3A_217, %add3A_218 : i32
        %get3A_220 = arith.index_cast %add3A_219 : i32 to index
        %get3A_221 = tpu.vector_load %arg10[%get3A_220] {strides = array<i32>} : memref<1440xf32, #tpu.memory_space<vmem>>, vector<16xf32>,
        %add3A_222 = arith.addf %while3A_161, %get3A_221 : vector<16xf32>
        scf.yield %add3A_166, %add3A_173, %add3A_180, %add3A_187, %add3A_194, %add3A_201, %add3A_208, %add3A_215, %add3A_222 : vector<16xf32>, vector<16xf32>, vector<16xf32>, vector<16xf32>, vector<16xf32>, vector<16xf32>, vector<16xf32>, vector<16xf32>, vector<16xf32>
      }
      %while3A_85 = arith.constant 1 : i32
      %while3A_86:9 = scf.for %while3A_152 = %while3A_82 to %while3A_78 step %while3A_85 iter_args(%while3A_153 = %while3A_84#0, %while3A_154 = %while3A_84#1, %while3A_155 = %while3A_84#2, %while3A_156 = %while3A_84#3, %while3A_157 = %while3A_84#4, %while3A_158 = %while3A_84#5, %while3A_159 = %while3A_84#6, %while3A_160 = %while3A_84#7, %while3A_161 = %while3A_84#8) -> (vector<16xf32>, vector<16xf32>, vector<16xf32>, vector<16xf32>, vector<16xf32>, vector<16xf32>, vector<16xf32>, vector<16xf32>, vector<16xf32>)  : i32 {
        %mul3A_162 = arith.constant 144 : i32
        %mul3A_163 = arith.muli %while3A_152, %mul3A_162 : i32
        %add3A = arith.constant 0 : i32
        %add3A_164 = arith.addi %mul3A_163, %add3A : i32
        %get3A = arith.index_cast %add3A_164 : i32 to index
        %get3A_165 = tpu.vector_load %arg10[%get3A] {strides = array<i32>} : memref<1440xf32, #tpu.memory_space<vmem>>, vector<16xf32>,
        %add3A_166 = arith.addf %while3A_153, %get3A_165 : vector<16xf32>
        %mul3A_167 = arith.constant 144 : i32
        %mul3A_168 = arith.muli %while3A_152, %mul3A_167 : i32
        %add3A_169 = arith.constant 16 : i32
        %add3A_170 = arith.addi %mul3A_168, %add3A_169 : i32
        %get3A_171 = arith.index_cast %add3A_170 : i32 to index
        %get3A_172 = tpu.vector_load %arg10[%get3A_171] {strides = array<i32>} : memref<1440xf32, #tpu.memory_space<vmem>>, vector<16xf32>,
        %add3A_173 = arith.addf %while3A_154, %get3A_172 : vector<16xf32>
        %mul3A_174 = arith.constant 144 : i32
        %mul3A_175 = arith.muli %while3A_152, %mul3A_174 : i32
        %add3A_176 = arith.constant 32 : i32
        %add3A_177 = arith.addi %mul3A_175, %add3A_176 : i32
        %get3A_178 = arith.index_cast %add3A_177 : i32 to index
        %get3A_179 = tpu.vector_load %arg10[%get3A_178] {strides = array<i32>} : memref<1440xf32, #tpu.memory_space<vmem>>, vector<16xf32>,
        %add3A_180 = arith.addf %while3A_155, %get3A_179 : vector<16xf32>
        %mul3A_181 = arith.constant 144 : i32
        %mul3A_182 = arith.muli %while3A_152, %mul3A_181 : i32
        %add3A_183 = arith.constant 48 : i32
        %add3A_184 = arith.addi %mul3A_182, %add3A_183 : i32
        %get3A_185 = arith.index_cast %add3A_184 : i32 to index
        %get3A_186 = tpu.vector_load %arg10[%get3A_185] {strides = array<i32>} : memref<1440xf32, #tpu.memory_space<vmem>>, vector<16xf32>,
        %add3A_187 = arith.addf %while3A_156, %get3A_186 : vector<16xf32>
        %mul3A_188 = arith.constant 144 : i32
        %mul3A_189 = arith.muli %while3A_152, %mul3A_188 : i32
        %add3A_190 = arith.constant 64 : i32
        %add3A_191 = arith.addi %mul3A_189, %add3A_190 : i32
        %get3A_192 = arith.index_cast %add3A_191 : i32 to index
        %get3A_193 = tpu.vector_load %arg10[%get3A_192] {strides = array<i32>} : memref<1440xf32, #tpu.memory_space<vmem>>, vector<16xf32>,
        %add3A_194 = arith.addf %while3A_157, %get3A_193 : vector<16xf32>
        %mul3A_195 = arith.constant 144 : i32
        %mul3A_196 = arith.muli %while3A_152, %mul3A_195 : i32
        %add3A_197 = arith.constant 80 : i32
        %add3A_198 = arith.addi %mul3A_196, %add3A_197 : i32
        %get3A_199 = arith.index_cast %add3A_198 : i32 to index
        %get3A_200 = tpu.vector_load %arg10[%get3A_199] {strides = array<i32>} : memref<1440xf32, #tpu.memory_space<vmem>>, vector<16xf32>,
        %add3A_201 = arith.addf %while3A_158, %get3A_200 : vector<16xf32>
        %mul3A_202 = arith.constant 144 : i32
        %mul3A_203 = arith.muli %while3A_152, %mul3A_202 : i32
        %add3A_204 = arith.constant 96 : i32
        %add3A_205 = arith.addi %mul3A_203, %add3A_204 : i32
        %get3A_206 = arith.index_cast %add3A_205 : i32 to index
        %get3A_207 = tpu.vector_load %arg10[%get3A_206] {strides = array<i32>} : memref<1440xf32, #tpu.memory_space<vmem>>, vector<16xf32>,
        %add3A_208 = arith.addf %while3A_159, %get3A_207 : vector<16xf32>
        %mul3A_209 = arith.constant 144 : i32
        %mul3A_210 = arith.muli %while3A_152, %mul3A_209 : i32
        %add3A_211 = arith.constant 112 : i32
        %add3A_212 = arith.addi %mul3A_210, %add3A_211 : i32
        %get3A_213 = arith.index_cast %add3A_212 : i32 to index
        %get3A_214 = tpu.vector_load %arg10[%get3A_213] {strides = array<i32>} : memref<1440xf32, #tpu.memory_space<vmem>>, vector<16xf32>,
        %add3A_215 = arith.addf %while3A_160, %get3A_214 : vector<16xf32>
        %mul3A_216 = arith.constant 144 : i32
        %mul3A_217 = arith.muli %while3A_152, %mul3A_216 : i32
        %add3A_218 = arith.constant 128 : i32
        %add3A_219 = arith.addi %mul3A_217, %add3A_218 : i32
        %get3A_220 = arith.index_cast %add3A_219 : i32 to index
        %get3A_221 = tpu.vector_load %arg10[%get3A_220] {strides = array<i32>} : memref<1440xf32, #tpu.memory_space<vmem>>, vector<16xf32>,
        %add3A_222 = arith.addf %while3A_161, %get3A_221 : vector<16xf32>
        scf.yield %add3A_166, %add3A_173, %add3A_180, %add3A_187, %add3A_194, %add3A_201, %add3A_208, %add3A_215, %add3A_222 : vector<16xf32>, vector<16xf32>, vector<16xf32>, vector<16xf32>, vector<16xf32>, vector<16xf32>, vector<16xf32>, vector<16xf32>, vector<16xf32>
      }
      %reduce_sum3A = arith.constant true
      %reduce_sum3A_87 = vector.broadcast %reduce_sum3A : i1 to vector<16xi1>
      %reduce_sum3A_88 = tpu.scan <sum>, %while3A_86#8 masked %reduce_sum3A_87 : vector<16xf32>, vector<16xi1> -> vector<16xf32>
      %reduce_sum3A_89 = vector.extract %reduce_sum3A_88[15] : f32 from vector<16xf32>
      %broadcast_in_dim3A_90 = vector.broadcast %reduce_sum3A_89 : f32 to vector<16xf32>
      %bitcast3A = vector.bitcast %broadcast_in_dim3A_90 : vector<16xf32> to vector<16xi32>
      %shift_right_logical3A = arith.constant 1 : i32
      %shift_right_logical3A_91 = vector.broadcast %shift_right_logical3A : i32 to vector<16xi32>
      %shift_right_logical3A_92 = arith.shrui %bitcast3A, %shift_right_logical3A_91 : vector<16xi32>
      %sub3A = arith.constant 1597463007 : i32
      %sub3A_93 = vector.broadcast %sub3A : i32 to vector<16xi32>
      %sub3A_94 = arith.subi %sub3A_93, %shift_right_logical3A_92 : vector<16xi32>
      %bitcast3A_95 = vector.bitcast %sub3A_94 : vector<16xi32> to vector<16xf32>
      %mul3A_96 = arith.constant 5.000000e-01 : f32
      %mul3A_97 = vector.broadcast %mul3A_96 : f32 to vector<16xf32>
      %mul3A_98 = arith.mulf %mul3A_97, %broadcast_in_dim3A_90 : vector<16xf32>
      %mul3A_99 = arith.mulf %mul3A_98, %bitcast3A_95 : vector<16xf32>
      %mul3A_100 = arith.mulf %mul3A_99, %bitcast3A_95 : vector<16xf32>
      %sub3A_101 = arith.constant 1.500000e+00 : f32
      %sub3A_102 = vector.broadcast %sub3A_101 : f32 to vector<16xf32>
      %sub3A_103 = arith.subf %sub3A_102, %mul3A_100 : vector<16xf32>
      %mul3A_104 = arith.mulf %bitcast3A_95, %sub3A_103 : vector<16xf32>
      %mul3A_105 = arith.constant 5.000000e-01 : f32
      %mul3A_106 = vector.broadcast %mul3A_105 : f32 to vector<16xf32>
      %mul3A_107 = arith.mulf %mul3A_106, %broadcast_in_dim3A_90 : vector<16xf32>
      %mul3A_108 = arith.mulf %mul3A_107, %mul3A_104 : vector<16xf32>
      %mul3A_109 = arith.mulf %mul3A_108, %mul3A_104 : vector<16xf32>
      %sub3A_110 = arith.constant 1.500000e+00 : f32
      %sub3A_111 = vector.broadcast %sub3A_110 : f32 to vector<16xf32>
      %sub3A_112 = arith.subf %sub3A_111, %mul3A_109 : vector<16xf32>
      %mul3A_113 = arith.mulf %mul3A_104, %sub3A_112 : vector<16xf32>
      %mul3A_114 = arith.constant 5.000000e-01 : f32
      %mul3A_115 = vector.broadcast %mul3A_114 : f32 to vector<16xf32>
      %mul3A_116 = arith.mulf %mul3A_115, %broadcast_in_dim3A_90 : vector<16xf32>
      %mul3A_117 = arith.mulf %mul3A_116, %mul3A_113 : vector<16xf32>
      %mul3A_118 = arith.mulf %mul3A_117, %mul3A_113 : vector<16xf32>
      %sub3A_119 = arith.constant 1.500000e+00 : f32
      %sub3A_120 = vector.broadcast %sub3A_119 : f32 to vector<16xf32>
      %sub3A_121 = arith.subf %sub3A_120, %mul3A_118 : vector<16xf32>
      %mul3A_122 = arith.mulf %mul3A_113, %sub3A_121 : vector<16xf32>
      %mul3A_123 = arith.mulf %while3A_86#0, %mul3A_122 : vector<16xf32>
      %mul3A_124 = arith.mulf %while3A_86#1, %mul3A_122 : vector<16xf32>
      %mul3A_125 = arith.mulf %while3A_86#2, %mul3A_122 : vector<16xf32>
      %mul3A_126 = arith.mulf %while3A_86#3, %mul3A_122 : vector<16xf32>
      %mul3A_127 = arith.mulf %while3A_86#4, %mul3A_122 : vector<16xf32>
      %mul3A_128 = arith.mulf %while3A_86#5, %mul3A_122 : vector<16xf32>
      %mul3A_129 = arith.mulf %while3A_86#6, %mul3A_122 : vector<16xf32>
      %mul3A_130 = arith.mulf %while3A_86#7, %mul3A_122 : vector<16xf32>
      %while3A_131 = arith.constant 0 : i32
      %while3A_132 = arith.subi %select_n3A_17, %while3A_131 : i32
      %while3A_133 = arith.addi %while3A_131, %while3A_132 : i32
      %while3A_134 = arith.constant 1 : i32
      %while3A_135 = arith.divsi %while3A_132, %while3A_134 : i32
      %while3A_136 = arith.muli %while3A_135, %while3A_134 : i32
      %while3A_137 = arith.addi %while3A_131, %while3A_136 : i32
      %while3A_138 = arith.constant 1 : i32
      %while3A_139 = scf.for %while3A_152 = %while3A_131 to %while3A_137 step %while3A_138 iter_args(%while3A_153 = %broadcast_in_dim3A_0) -> (vector<16xf32>)  : i32 {
        %get3A = arith.index_cast %while3A_152 : i32 to index
        %get3A_154 = arith.constant 0 : index
        %get3A_155 = tpu.vector_load %arg7[%get3A, %get3A_154] {strides = array<i32>} : memref<24x128xf32, #tpu.memory_space<vmem>>, vector<16xf32>,
        %mul3A_156 = arith.mulf %get3A_155, %mul3A_123 : vector<16xf32>
        %get3A_157 = arith.index_cast %while3A_152 : i32 to index
        %get3A_158 = arith.constant 16 : index
        %get3A_159 = tpu.vector_load %arg7[%get3A_157, %get3A_158] {strides = array<i32>} : memref<24x128xf32, #tpu.memory_space<vmem>>, vector<16xf32>,
        %mul3A_160 = arith.mulf %get3A_159, %mul3A_124 : vector<16xf32>
        %add3A = arith.addf %mul3A_156, %mul3A_160 : vector<16xf32>
        %get3A_161 = arith.index_cast %while3A_152 : i32 to index
        %get3A_162 = arith.constant 32 : index
        %get3A_163 = tpu.vector_load %arg7[%get3A_161, %get3A_162] {strides = array<i32>} : memref<24x128xf32, #tpu.memory_space<vmem>>, vector<16xf32>,
        %mul3A_164 = arith.mulf %get3A_163, %mul3A_125 : vector<16xf32>
        %add3A_165 = arith.addf %add3A, %mul3A_164 : vector<16xf32>
        %get3A_166 = arith.index_cast %while3A_152 : i32 to index
        %get3A_167 = arith.constant 48 : index
        %get3A_168 = tpu.vector_load %arg7[%get3A_166, %get3A_167] {strides = array<i32>} : memref<24x128xf32, #tpu.memory_space<vmem>>, vector<16xf32>,
        %mul3A_169 = arith.mulf %get3A_168, %mul3A_126 : vector<16xf32>
        %add3A_170 = arith.addf %add3A_165, %mul3A_169 : vector<16xf32>
        %get3A_171 = arith.index_cast %while3A_152 : i32 to index
        %get3A_172 = arith.constant 64 : index
        %get3A_173 = tpu.vector_load %arg7[%get3A_171, %get3A_172] {strides = array<i32>} : memref<24x128xf32, #tpu.memory_space<vmem>>, vector<16xf32>,
        %mul3A_174 = arith.mulf %get3A_173, %mul3A_127 : vector<16xf32>
        %add3A_175 = arith.addf %add3A_170, %mul3A_174 : vector<16xf32>
        %get3A_176 = arith.index_cast %while3A_152 : i32 to index
        %get3A_177 = arith.constant 80 : index
        %get3A_178 = tpu.vector_load %arg7[%get3A_176, %get3A_177] {strides = array<i32>} : memref<24x128xf32, #tpu.memory_space<vmem>>, vector<16xf32>,
        %mul3A_179 = arith.mulf %get3A_178, %mul3A_128 : vector<16xf32>
        %add3A_180 = arith.addf %add3A_175, %mul3A_179 : vector<16xf32>
        %get3A_181 = arith.index_cast %while3A_152 : i32 to index
        %get3A_182 = arith.constant 96 : index
        %get3A_183 = tpu.vector_load %arg7[%get3A_181, %get3A_182] {strides = array<i32>} : memref<24x128xf32, #tpu.memory_space<vmem>>, vector<16xf32>,
        %mul3A_184 = arith.mulf %get3A_183, %mul3A_129 : vector<16xf32>
        %add3A_185 = arith.addf %add3A_180, %mul3A_184 : vector<16xf32>
        %get3A_186 = arith.index_cast %while3A_152 : i32 to index
        %get3A_187 = arith.constant 112 : index
        %get3A_188 = tpu.vector_load %arg7[%get3A_186, %get3A_187] {strides = array<i32>} : memref<24x128xf32, #tpu.memory_space<vmem>>, vector<16xf32>,
        %mul3A_189 = arith.mulf %get3A_188, %mul3A_130 : vector<16xf32>
        %add3A_190 = arith.addf %add3A_185, %mul3A_189 : vector<16xf32>
        %reduce_sum3A_191 = arith.constant true
        %reduce_sum3A_192 = vector.broadcast %reduce_sum3A_191 : i1 to vector<16xi1>
        %reduce_sum3A_193 = tpu.scan <sum>, %add3A_190 masked %reduce_sum3A_192 : vector<16xf32>, vector<16xi1> -> vector<16xf32>
        %reduce_sum3A_194 = vector.extract %reduce_sum3A_193[15] : f32 from vector<16xf32>
        %broadcast_in_dim3A_195 = vector.broadcast %reduce_sum3A_194 : f32 to vector<16xf32>
        %exp3A = math.exp %broadcast_in_dim3A_195 : vector<16xf32>
        %add3A_196 = arith.addf %while3A_153, %exp3A : vector<16xf32>
        scf.yield %add3A_196 : vector<16xf32>
      }
      %while3A_140 = arith.constant 1 : i32
      %while3A_141 = scf.for %while3A_152 = %while3A_137 to %while3A_133 step %while3A_140 iter_args(%while3A_153 = %while3A_139) -> (vector<16xf32>)  : i32 {
        %get3A = arith.index_cast %while3A_152 : i32 to index
        %get3A_154 = arith.constant 0 : index
        %get3A_155 = tpu.vector_load %arg7[%get3A, %get3A_154] {strides = array<i32>} : memref<24x128xf32, #tpu.memory_space<vmem>>, vector<16xf32>,
        %mul3A_156 = arith.mulf %get3A_155, %mul3A_123 : vector<16xf32>
        %get3A_157 = arith.index_cast %while3A_152 : i32 to index
        %get3A_158 = arith.constant 16 : index
        %get3A_159 = tpu.vector_load %arg7[%get3A_157, %get3A_158] {strides = array<i32>} : memref<24x128xf32, #tpu.memory_space<vmem>>, vector<16xf32>,
        %mul3A_160 = arith.mulf %get3A_159, %mul3A_124 : vector<16xf32>
        %add3A = arith.addf %mul3A_156, %mul3A_160 : vector<16xf32>
        %get3A_161 = arith.index_cast %while3A_152 : i32 to index
        %get3A_162 = arith.constant 32 : index
        %get3A_163 = tpu.vector_load %arg7[%get3A_161, %get3A_162] {strides = array<i32>} : memref<24x128xf32, #tpu.memory_space<vmem>>, vector<16xf32>,
        %mul3A_164 = arith.mulf %get3A_163, %mul3A_125 : vector<16xf32>
        %add3A_165 = arith.addf %add3A, %mul3A_164 : vector<16xf32>
        %get3A_166 = arith.index_cast %while3A_152 : i32 to index
        %get3A_167 = arith.constant 48 : index
        %get3A_168 = tpu.vector_load %arg7[%get3A_166, %get3A_167] {strides = array<i32>} : memref<24x128xf32, #tpu.memory_space<vmem>>, vector<16xf32>,
        %mul3A_169 = arith.mulf %get3A_168, %mul3A_126 : vector<16xf32>
        %add3A_170 = arith.addf %add3A_165, %mul3A_169 : vector<16xf32>
        %get3A_171 = arith.index_cast %while3A_152 : i32 to index
        %get3A_172 = arith.constant 64 : index
        %get3A_173 = tpu.vector_load %arg7[%get3A_171, %get3A_172] {strides = array<i32>} : memref<24x128xf32, #tpu.memory_space<vmem>>, vector<16xf32>,
        %mul3A_174 = arith.mulf %get3A_173, %mul3A_127 : vector<16xf32>
        %add3A_175 = arith.addf %add3A_170, %mul3A_174 : vector<16xf32>
        %get3A_176 = arith.index_cast %while3A_152 : i32 to index
        %get3A_177 = arith.constant 80 : index
        %get3A_178 = tpu.vector_load %arg7[%get3A_176, %get3A_177] {strides = array<i32>} : memref<24x128xf32, #tpu.memory_space<vmem>>, vector<16xf32>,
        %mul3A_179 = arith.mulf %get3A_178, %mul3A_128 : vector<16xf32>
        %add3A_180 = arith.addf %add3A_175, %mul3A_179 : vector<16xf32>
        %get3A_181 = arith.index_cast %while3A_152 : i32 to index
        %get3A_182 = arith.constant 96 : index
        %get3A_183 = tpu.vector_load %arg7[%get3A_181, %get3A_182] {strides = array<i32>} : memref<24x128xf32, #tpu.memory_space<vmem>>, vector<16xf32>,
        %mul3A_184 = arith.mulf %get3A_183, %mul3A_129 : vector<16xf32>
        %add3A_185 = arith.addf %add3A_180, %mul3A_184 : vector<16xf32>
        %get3A_186 = arith.index_cast %while3A_152 : i32 to index
        %get3A_187 = arith.constant 112 : index
        %get3A_188 = tpu.vector_load %arg7[%get3A_186, %get3A_187] {strides = array<i32>} : memref<24x128xf32, #tpu.memory_space<vmem>>, vector<16xf32>,
        %mul3A_189 = arith.mulf %get3A_188, %mul3A_130 : vector<16xf32>
        %add3A_190 = arith.addf %add3A_185, %mul3A_189 : vector<16xf32>
        %reduce_sum3A_191 = arith.constant true
        %reduce_sum3A_192 = vector.broadcast %reduce_sum3A_191 : i1 to vector<16xi1>
        %reduce_sum3A_193 = tpu.scan <sum>, %add3A_190 masked %reduce_sum3A_192 : vector<16xf32>, vector<16xi1> -> vector<16xf32>
        %reduce_sum3A_194 = vector.extract %reduce_sum3A_193[15] : f32 from vector<16xf32>
        %broadcast_in_dim3A_195 = vector.broadcast %reduce_sum3A_194 : f32 to vector<16xf32>
        %exp3A = math.exp %broadcast_in_dim3A_195 : vector<16xf32>
        %add3A_196 = arith.addf %while3A_153, %exp3A : vector<16xf32>
        scf.yield %add3A_196 : vector<16xf32>
      }
      %swap3A = arith.constant 0 : index
      %swap3A_142 = tpu.vector_load %arg11[%swap3A] {strides = array<i32>} : memref<16xf32, #tpu.memory_space<vmem>>, vector<16xf32>,
      tpu.vector_store %arg11[%swap3A], %while3A_141 {strides = array<i32>} : memref<16xf32, #tpu.memory_space<vmem>>, vector<16xf32>,
      %mul3A_143 = arith.constant 16 : i32
      %mul3A_144 = arith.muli %arg1, %mul3A_143 : i32
      %dma_start3A_145 = tpu.memref_slice %arg16[%mul3A_144] : memref<640xf32, #tpu.memory_space<vmem_shared>> -> memref<16xf32, #tpu.memory_space<vmem_shared>>
      %dma_start3A_146 = tpu.memref_slice %arg16[%mul3A_144] : memref<640xf32, #tpu.memory_space<vmem_shared>> -> memref<16xf32, #tpu.memory_space<vmem_shared>>
      tpu.enqueue_dma source(%arg11 : memref<16xf32, #tpu.memory_space<vmem>>) target(%dma_start3A_146 : memref<16xf32, #tpu.memory_space<vmem_shared>>) target_semaphore(%arg17 : memref<!tpu.dma_semaphore, #tpu.memory_space<semaphore_mem>>)
      %convert_element_type3A_147 = arith.extui %or3A_46 : i1 to i32
      %cond3A_148 = arith.constant 0 : i32
      %cond3A_149 = arith.cmpi ne, %convert_element_type3A_147, %cond3A_148 : i32
      scf.if %cond3A_149 {
        %swap3A_152 = arith.constant 0 : index
        %swap3A_153 = tpu.vector_load %arg9[%swap3A_152] {strides = array<i32>} : memref<128xf32, #tpu.memory_space<vmem>>, vector<16xf32>,
        tpu.vector_store %arg9[%swap3A_152], %mul3A_123 {strides = array<i32>} : memref<128xf32, #tpu.memory_space<vmem>>, vector<16xf32>,
        %swap3A_154 = arith.constant 16 : index
        %swap3A_155 = tpu.vector_load %arg9[%swap3A_154] {strides = array<i32>} : memref<128xf32, #tpu.memory_space<vmem>>, vector<16xf32>,
        tpu.vector_store %arg9[%swap3A_154], %mul3A_124 {strides = array<i32>} : memref<128xf32, #tpu.memory_space<vmem>>, vector<16xf32>,
        %swap3A_156 = arith.constant 32 : index
        %swap3A_157 = tpu.vector_load %arg9[%swap3A_156] {strides = array<i32>} : memref<128xf32, #tpu.memory_space<vmem>>, vector<16xf32>,
        tpu.vector_store %arg9[%swap3A_156], %mul3A_125 {strides = array<i32>} : memref<128xf32, #tpu.memory_space<vmem>>, vector<16xf32>,
        %swap3A_158 = arith.constant 48 : index
        %swap3A_159 = tpu.vector_load %arg9[%swap3A_158] {strides = array<i32>} : memref<128xf32, #tpu.memory_space<vmem>>, vector<16xf32>,
        tpu.vector_store %arg9[%swap3A_158], %mul3A_126 {strides = array<i32>} : memref<128xf32, #tpu.memory_space<vmem>>, vector<16xf32>,
        %swap3A_160 = arith.constant 64 : index
        %swap3A_161 = tpu.vector_load %arg9[%swap3A_160] {strides = array<i32>} : memref<128xf32, #tpu.memory_space<vmem>>, vector<16xf32>,
        tpu.vector_store %arg9[%swap3A_160], %mul3A_127 {strides = array<i32>} : memref<128xf32, #tpu.memory_space<vmem>>, vector<16xf32>,
        %swap3A_162 = arith.constant 80 : index
        %swap3A_163 = tpu.vector_load %arg9[%swap3A_162] {strides = array<i32>} : memref<128xf32, #tpu.memory_space<vmem>>, vector<16xf32>,
        tpu.vector_store %arg9[%swap3A_162], %mul3A_128 {strides = array<i32>} : memref<128xf32, #tpu.memory_space<vmem>>, vector<16xf32>,
        %swap3A_164 = arith.constant 96 : index
        %swap3A_165 = tpu.vector_load %arg9[%swap3A_164] {strides = array<i32>} : memref<128xf32, #tpu.memory_space<vmem>>, vector<16xf32>,
        tpu.vector_store %arg9[%swap3A_164], %mul3A_129 {strides = array<i32>} : memref<128xf32, #tpu.memory_space<vmem>>, vector<16xf32>,
        %swap3A_166 = arith.constant 112 : index
        %swap3A_167 = tpu.vector_load %arg9[%swap3A_166] {strides = array<i32>} : memref<128xf32, #tpu.memory_space<vmem>>, vector<16xf32>,
        tpu.vector_store %arg9[%swap3A_166], %mul3A_130 {strides = array<i32>} : memref<128xf32, #tpu.memory_space<vmem>>, vector<16xf32>,
        %mul3A_168 = arith.constant 128 : i32
        %mul3A_169 = arith.muli %select_n3A_55, %mul3A_168 : i32
        %add3A = arith.constant 256 : i32
        %add3A_170 = arith.addi %add3A, %mul3A_169 : i32
        "tpu.region"() ({
          %run_scoped3A = tpu.sem_alloc : memref<!tpu.dma_semaphore, #tpu.memory_space<semaphore_mem>>
          %dma_start3A_171 = tpu.memref_slice %arg16[%add3A_170] : memref<640xf32, #tpu.memory_space<vmem_shared>> -> memref<128xf32, #tpu.memory_space<vmem_shared>>
          %dma_start3A_172 = tpu.memref_slice %arg16[%add3A_170] : memref<640xf32, #tpu.memory_space<vmem_shared>> -> memref<128xf32, #tpu.memory_space<vmem_shared>>
          tpu.enqueue_dma source(%arg9 : memref<128xf32, #tpu.memory_space<vmem>>) target(%dma_start3A_172 : memref<128xf32, #tpu.memory_space<vmem_shared>>) target_semaphore(%run_scoped3A : memref<!tpu.dma_semaphore, #tpu.memory_space<semaphore_mem>>)
          %dma_wait3A_173 = tpu.memref_slice %arg16[%add3A_170] : memref<640xf32, #tpu.memory_space<vmem_shared>> -> memref<128xf32, #tpu.memory_space<vmem_shared>>
          %dma_wait3A_174 = tpu.memref_slice %arg16[%add3A_170] : memref<640xf32, #tpu.memory_space<vmem_shared>> -> memref<128xf32, #tpu.memory_space<vmem_shared>>
          tpu.wait_dma2 semaphore(%run_scoped3A : memref<!tpu.dma_semaphore, #tpu.memory_space<semaphore_mem>>) src(%arg9 : memref<128xf32, #tpu.memory_space<vmem>>) dst(%dma_wait3A_174 : memref<128xf32, #tpu.memory_space<vmem_shared>>)
          tpu.yield
        }) : () -> ()
      } else {
      }
      %dma_wait3A_150 = tpu.memref_slice %arg16[%mul3A_144] : memref<640xf32, #tpu.memory_space<vmem_shared>> -> memref<16xf32, #tpu.memory_space<vmem_shared>>
      %dma_wait3A_151 = tpu.memref_slice %arg16[%mul3A_144] : memref<640xf32, #tpu.memory_space<vmem_shared>> -> memref<16xf32, #tpu.memory_space<vmem_shared>>
      tpu.wait_dma2 semaphore(%arg17 : memref<!tpu.dma_semaphore, #tpu.memory_space<semaphore_mem>>) src(%arg11 : memref<16xf32, #tpu.memory_space<vmem>>) dst(%dma_wait3A_151 : memref<16xf32, #tpu.memory_space<vmem_shared>>)
    } else {
    }
    %barrier3A_71 = arith.constant 0 : index
    tpu.barrier barrier_id(%barrier3A_71)
    %convert_element_type3A_72 = arith.extui %and3A : i1 to i32
    %cond3A_73 = arith.constant 0 : i32
    %cond3A_74 = arith.cmpi ne, %convert_element_type3A_72, %cond3A_73 : i32
    scf.if %cond3A_74 {
      "tpu.region"() ({
        %run_scoped3A = tpu.sem_alloc : memref<!tpu.dma_semaphore, #tpu.memory_space<semaphore_mem>>
        tpu.enqueue_dma source(%arg16 : memref<640xf32, #tpu.memory_space<vmem_shared>>) target(%arg12 : memref<640xf32, #tpu.memory_space<vmem>>) target_semaphore(%run_scoped3A : memref<!tpu.dma_semaphore, #tpu.memory_space<semaphore_mem>>)
        tpu.wait_dma2 semaphore(%run_scoped3A : memref<!tpu.dma_semaphore, #tpu.memory_space<semaphore_mem>>) src(%arg16 : memref<640xf32, #tpu.memory_space<vmem_shared>>) dst(%arg12 : memref<640xf32, #tpu.memory_space<vmem>>)
        tpu.yield
      }) : () -> ()
      %get3A = arith.constant 0 : index
      %get3A_75 = tpu.vector_load %arg12[%get3A] {strides = array<i32>} : memref<640xf32, #tpu.memory_space<vmem>>, vector<16xf32>,
      %get3A_76 = arith.constant 16 : index
      %get3A_77 = tpu.vector_load %arg12[%get3A_76] {strides = array<i32>} : memref<640xf32, #tpu.memory_space<vmem>>, vector<16xf32>,
      %add3A = arith.addf %get3A_75, %get3A_77 : vector<16xf32>
      %get3A_78 = arith.constant 32 : index
      %get3A_79 = tpu.vector_load %arg12[%get3A_78] {strides = array<i32>} : memref<640xf32, #tpu.memory_space<vmem>>, vector<16xf32>,
      %add3A_80 = arith.addf %add3A, %get3A_79 : vector<16xf32>
      %get3A_81 = arith.constant 48 : index
      %get3A_82 = tpu.vector_load %arg12[%get3A_81] {strides = array<i32>} : memref<640xf32, #tpu.memory_space<vmem>>, vector<16xf32>,
      %add3A_83 = arith.addf %add3A_80, %get3A_82 : vector<16xf32>
      %get3A_84 = arith.constant 64 : index
      %get3A_85 = tpu.vector_load %arg12[%get3A_84] {strides = array<i32>} : memref<640xf32, #tpu.memory_space<vmem>>, vector<16xf32>,
      %add3A_86 = arith.addf %add3A_83, %get3A_85 : vector<16xf32>
      %get3A_87 = arith.constant 80 : index
      %get3A_88 = tpu.vector_load %arg12[%get3A_87] {strides = array<i32>} : memref<640xf32, #tpu.memory_space<vmem>>, vector<16xf32>,
      %add3A_89 = arith.addf %add3A_86, %get3A_88 : vector<16xf32>
      %get3A_90 = arith.constant 96 : index
      %get3A_91 = tpu.vector_load %arg12[%get3A_90] {strides = array<i32>} : memref<640xf32, #tpu.memory_space<vmem>>, vector<16xf32>,
      %add3A_92 = arith.addf %add3A_89, %get3A_91 : vector<16xf32>
      %get3A_93 = arith.constant 112 : index
      %get3A_94 = tpu.vector_load %arg12[%get3A_93] {strides = array<i32>} : memref<640xf32, #tpu.memory_space<vmem>>, vector<16xf32>,
      %add3A_95 = arith.addf %add3A_92, %get3A_94 : vector<16xf32>
      %get3A_96 = arith.constant 128 : index
      %get3A_97 = tpu.vector_load %arg12[%get3A_96] {strides = array<i32>} : memref<640xf32, #tpu.memory_space<vmem>>, vector<16xf32>,
      %add3A_98 = arith.addf %add3A_95, %get3A_97 : vector<16xf32>
      %get3A_99 = arith.constant 144 : index
      %get3A_100 = tpu.vector_load %arg12[%get3A_99] {strides = array<i32>} : memref<640xf32, #tpu.memory_space<vmem>>, vector<16xf32>,
      %add3A_101 = arith.addf %add3A_98, %get3A_100 : vector<16xf32>
      %get3A_102 = arith.constant 160 : index
      %get3A_103 = tpu.vector_load %arg12[%get3A_102] {strides = array<i32>} : memref<640xf32, #tpu.memory_space<vmem>>, vector<16xf32>,
      %get3A_104 = arith.constant 176 : index
      %get3A_105 = tpu.vector_load %arg12[%get3A_104] {strides = array<i32>} : memref<640xf32, #tpu.memory_space<vmem>>, vector<16xf32>,
      %add3A_106 = arith.addf %get3A_103, %get3A_105 : vector<16xf32>
      %get3A_107 = arith.constant 192 : index
      %get3A_108 = tpu.vector_load %arg12[%get3A_107] {strides = array<i32>} : memref<640xf32, #tpu.memory_space<vmem>>, vector<16xf32>,
      %add3A_109 = arith.addf %add3A_106, %get3A_108 : vector<16xf32>
      %get3A_110 = arith.constant 208 : index
      %get3A_111 = tpu.vector_load %arg12[%get3A_110] {strides = array<i32>} : memref<640xf32, #tpu.memory_space<vmem>>, vector<16xf32>,
      %get3A_112 = arith.constant 256 : index
      %get3A_113 = tpu.vector_load %arg12[%get3A_112] {strides = array<i32>} : memref<640xf32, #tpu.memory_space<vmem>>, vector<16xf32>,
      %get3A_114 = arith.constant 272 : index
      %get3A_115 = tpu.vector_load %arg12[%get3A_114] {strides = array<i32>} : memref<640xf32, #tpu.memory_space<vmem>>, vector<16xf32>,
      %get3A_116 = arith.constant 288 : index
      %get3A_117 = tpu.vector_load %arg12[%get3A_116] {strides = array<i32>} : memref<640xf32, #tpu.memory_space<vmem>>, vector<16xf32>,
      %get3A_118 = arith.constant 304 : index
      %get3A_119 = tpu.vector_load %arg12[%get3A_118] {strides = array<i32>} : memref<640xf32, #tpu.memory_space<vmem>>, vector<16xf32>,
      %get3A_120 = arith.constant 320 : index
      %get3A_121 = tpu.vector_load %arg12[%get3A_120] {strides = array<i32>} : memref<640xf32, #tpu.memory_space<vmem>>, vector<16xf32>,
      %get3A_122 = arith.constant 336 : index
      %get3A_123 = tpu.vector_load %arg12[%get3A_122] {strides = array<i32>} : memref<640xf32, #tpu.memory_space<vmem>>, vector<16xf32>,
      %get3A_124 = arith.constant 352 : index
      %get3A_125 = tpu.vector_load %arg12[%get3A_124] {strides = array<i32>} : memref<640xf32, #tpu.memory_space<vmem>>, vector<16xf32>,
      %get3A_126 = arith.constant 368 : index
      %get3A_127 = tpu.vector_load %arg12[%get3A_126] {strides = array<i32>} : memref<640xf32, #tpu.memory_space<vmem>>, vector<16xf32>,
      %get3A_128 = arith.constant 0 : i32
      %get3A_129 = arith.index_cast %get3A_128 : i32 to index
      %get3A_130 = arith.constant 0 : index
      %get3A_131 = tpu.vector_load %arg7[%get3A_129, %get3A_130] {strides = array<i32>} : memref<24x128xf32, #tpu.memory_space<vmem>>, vector<16xf32>,
      %mul3A_132 = arith.mulf %get3A_131, %get3A_113 : vector<16xf32>
      %get3A_133 = arith.constant 0 : i32
      %get3A_134 = arith.index_cast %get3A_133 : i32 to index
      %get3A_135 = arith.constant 16 : index
      %get3A_136 = tpu.vector_load %arg7[%get3A_134, %get3A_135] {strides = array<i32>} : memref<24x128xf32, #tpu.memory_space<vmem>>, vector<16xf32>,
      %mul3A_137 = arith.mulf %get3A_136, %get3A_115 : vector<16xf32>
      %add3A_138 = arith.addf %mul3A_132, %mul3A_137 : vector<16xf32>
      %get3A_139 = arith.constant 0 : i32
      %get3A_140 = arith.index_cast %get3A_139 : i32 to index
      %get3A_141 = arith.constant 32 : index
      %get3A_142 = tpu.vector_load %arg7[%get3A_140, %get3A_141] {strides = array<i32>} : memref<24x128xf32, #tpu.memory_space<vmem>>, vector<16xf32>,
      %mul3A_143 = arith.mulf %get3A_142, %get3A_117 : vector<16xf32>
      %add3A_144 = arith.addf %add3A_138, %mul3A_143 : vector<16xf32>
      %get3A_145 = arith.constant 0 : i32
      %get3A_146 = arith.index_cast %get3A_145 : i32 to index
      %get3A_147 = arith.constant 48 : index
      %get3A_148 = tpu.vector_load %arg7[%get3A_146, %get3A_147] {strides = array<i32>} : memref<24x128xf32, #tpu.memory_space<vmem>>, vector<16xf32>,
      %mul3A_149 = arith.mulf %get3A_148, %get3A_119 : vector<16xf32>
      %add3A_150 = arith.addf %add3A_144, %mul3A_149 : vector<16xf32>
      %get3A_151 = arith.constant 0 : i32
      %get3A_152 = arith.index_cast %get3A_151 : i32 to index
      %get3A_153 = arith.constant 64 : index
      %get3A_154 = tpu.vector_load %arg7[%get3A_152, %get3A_153] {strides = array<i32>} : memref<24x128xf32, #tpu.memory_space<vmem>>, vector<16xf32>,
      %mul3A_155 = arith.mulf %get3A_154, %get3A_121 : vector<16xf32>
      %add3A_156 = arith.addf %add3A_150, %mul3A_155 : vector<16xf32>
      %get3A_157 = arith.constant 0 : i32
      %get3A_158 = arith.index_cast %get3A_157 : i32 to index
      %get3A_159 = arith.constant 80 : index
      %get3A_160 = tpu.vector_load %arg7[%get3A_158, %get3A_159] {strides = array<i32>} : memref<24x128xf32, #tpu.memory_space<vmem>>, vector<16xf32>,
      %mul3A_161 = arith.mulf %get3A_160, %get3A_123 : vector<16xf32>
      %add3A_162 = arith.addf %add3A_156, %mul3A_161 : vector<16xf32>
      %get3A_163 = arith.constant 0 : i32
      %get3A_164 = arith.index_cast %get3A_163 : i32 to index
      %get3A_165 = arith.constant 96 : index
      %get3A_166 = tpu.vector_load %arg7[%get3A_164, %get3A_165] {strides = array<i32>} : memref<24x128xf32, #tpu.memory_space<vmem>>, vector<16xf32>,
      %mul3A_167 = arith.mulf %get3A_166, %get3A_125 : vector<16xf32>
      %add3A_168 = arith.addf %add3A_162, %mul3A_167 : vector<16xf32>
      %get3A_169 = arith.constant 0 : i32
      %get3A_170 = arith.index_cast %get3A_169 : i32 to index
      %get3A_171 = arith.constant 112 : index
      %get3A_172 = tpu.vector_load %arg7[%get3A_170, %get3A_171] {strides = array<i32>} : memref<24x128xf32, #tpu.memory_space<vmem>>, vector<16xf32>,
      %mul3A_173 = arith.mulf %get3A_172, %get3A_127 : vector<16xf32>
      %add3A_174 = arith.addf %add3A_168, %mul3A_173 : vector<16xf32>
      %reduce_sum3A = arith.constant true
      %reduce_sum3A_175 = vector.broadcast %reduce_sum3A : i1 to vector<16xi1>
      %reduce_sum3A_176 = tpu.scan <sum>, %add3A_174 masked %reduce_sum3A_175 : vector<16xf32>, vector<16xi1> -> vector<16xf32>
      %reduce_sum3A_177 = vector.extract %reduce_sum3A_176[15] : f32 from vector<16xf32>
      %broadcast_in_dim3A_178 = vector.broadcast %reduce_sum3A_177 : f32 to vector<16xf32>
      %exp3A = math.exp %broadcast_in_dim3A_178 : vector<16xf32>
      %div3A = arith.divf %exp3A, %add3A_101 : vector<16xf32>
      %get3A_179 = arith.constant 384 : index
      %get3A_180 = tpu.vector_load %arg12[%get3A_179] {strides = array<i32>} : memref<640xf32, #tpu.memory_space<vmem>>, vector<16xf32>,
      %get3A_181 = arith.constant 400 : index
      %get3A_182 = tpu.vector_load %arg12[%get3A_181] {strides = array<i32>} : memref<640xf32, #tpu.memory_space<vmem>>, vector<16xf32>,
      %get3A_183 = arith.constant 416 : index
      %get3A_184 = tpu.vector_load %arg12[%get3A_183] {strides = array<i32>} : memref<640xf32, #tpu.memory_space<vmem>>, vector<16xf32>,
      %get3A_185 = arith.constant 432 : index
      %get3A_186 = tpu.vector_load %arg12[%get3A_185] {strides = array<i32>} : memref<640xf32, #tpu.memory_space<vmem>>, vector<16xf32>,
      %get3A_187 = arith.constant 448 : index
      %get3A_188 = tpu.vector_load %arg12[%get3A_187] {strides = array<i32>} : memref<640xf32, #tpu.memory_space<vmem>>, vector<16xf32>,
      %get3A_189 = arith.constant 464 : index
      %get3A_190 = tpu.vector_load %arg12[%get3A_189] {strides = array<i32>} : memref<640xf32, #tpu.memory_space<vmem>>, vector<16xf32>,
      %get3A_191 = arith.constant 480 : index
      %get3A_192 = tpu.vector_load %arg12[%get3A_191] {strides = array<i32>} : memref<640xf32, #tpu.memory_space<vmem>>, vector<16xf32>,
      %get3A_193 = arith.constant 496 : index
      %get3A_194 = tpu.vector_load %arg12[%get3A_193] {strides = array<i32>} : memref<640xf32, #tpu.memory_space<vmem>>, vector<16xf32>,
      %get3A_195 = arith.constant 0 : i32
      %get3A_196 = arith.index_cast %get3A_195 : i32 to index
      %get3A_197 = arith.constant 0 : index
      %get3A_198 = tpu.vector_load %arg7[%get3A_196, %get3A_197] {strides = array<i32>} : memref<24x128xf32, #tpu.memory_space<vmem>>, vector<16xf32>,
      %mul3A_199 = arith.mulf %get3A_198, %get3A_180 : vector<16xf32>
      %get3A_200 = arith.constant 0 : i32
      %get3A_201 = arith.index_cast %get3A_200 : i32 to index
      %get3A_202 = arith.constant 16 : index
      %get3A_203 = tpu.vector_load %arg7[%get3A_201, %get3A_202] {strides = array<i32>} : memref<24x128xf32, #tpu.memory_space<vmem>>, vector<16xf32>,
      %mul3A_204 = arith.mulf %get3A_203, %get3A_182 : vector<16xf32>
      %add3A_205 = arith.addf %mul3A_199, %mul3A_204 : vector<16xf32>
      %get3A_206 = arith.constant 0 : i32
      %get3A_207 = arith.index_cast %get3A_206 : i32 to index
      %get3A_208 = arith.constant 32 : index
      %get3A_209 = tpu.vector_load %arg7[%get3A_207, %get3A_208] {strides = array<i32>} : memref<24x128xf32, #tpu.memory_space<vmem>>, vector<16xf32>,
      %mul3A_210 = arith.mulf %get3A_209, %get3A_184 : vector<16xf32>
      %add3A_211 = arith.addf %add3A_205, %mul3A_210 : vector<16xf32>
      %get3A_212 = arith.constant 0 : i32
      %get3A_213 = arith.index_cast %get3A_212 : i32 to index
      %get3A_214 = arith.constant 48 : index
      %get3A_215 = tpu.vector_load %arg7[%get3A_213, %get3A_214] {strides = array<i32>} : memref<24x128xf32, #tpu.memory_space<vmem>>, vector<16xf32>,
      %mul3A_216 = arith.mulf %get3A_215, %get3A_186 : vector<16xf32>
      %add3A_217 = arith.addf %add3A_211, %mul3A_216 : vector<16xf32>
      %get3A_218 = arith.constant 0 : i32
      %get3A_219 = arith.index_cast %get3A_218 : i32 to index
      %get3A_220 = arith.constant 64 : index
      %get3A_221 = tpu.vector_load %arg7[%get3A_219, %get3A_220] {strides = array<i32>} : memref<24x128xf32, #tpu.memory_space<vmem>>, vector<16xf32>,
      %mul3A_222 = arith.mulf %get3A_221, %get3A_188 : vector<16xf32>
      %add3A_223 = arith.addf %add3A_217, %mul3A_222 : vector<16xf32>
      %get3A_224 = arith.constant 0 : i32
      %get3A_225 = arith.index_cast %get3A_224 : i32 to index
      %get3A_226 = arith.constant 80 : index
      %get3A_227 = tpu.vector_load %arg7[%get3A_225, %get3A_226] {strides = array<i32>} : memref<24x128xf32, #tpu.memory_space<vmem>>, vector<16xf32>,
      %mul3A_228 = arith.mulf %get3A_227, %get3A_190 : vector<16xf32>
      %add3A_229 = arith.addf %add3A_223, %mul3A_228 : vector<16xf32>
      %get3A_230 = arith.constant 0 : i32
      %get3A_231 = arith.index_cast %get3A_230 : i32 to index
      %get3A_232 = arith.constant 96 : index
      %get3A_233 = tpu.vector_load %arg7[%get3A_231, %get3A_232] {strides = array<i32>} : memref<24x128xf32, #tpu.memory_space<vmem>>, vector<16xf32>,
      %mul3A_234 = arith.mulf %get3A_233, %get3A_192 : vector<16xf32>
      %add3A_235 = arith.addf %add3A_229, %mul3A_234 : vector<16xf32>
      %get3A_236 = arith.constant 0 : i32
      %get3A_237 = arith.index_cast %get3A_236 : i32 to index
      %get3A_238 = arith.constant 112 : index
      %get3A_239 = tpu.vector_load %arg7[%get3A_237, %get3A_238] {strides = array<i32>} : memref<24x128xf32, #tpu.memory_space<vmem>>, vector<16xf32>,
      %mul3A_240 = arith.mulf %get3A_239, %get3A_194 : vector<16xf32>
      %add3A_241 = arith.addf %add3A_235, %mul3A_240 : vector<16xf32>
      %reduce_sum3A_242 = arith.constant true
      %reduce_sum3A_243 = vector.broadcast %reduce_sum3A_242 : i1 to vector<16xi1>
      %reduce_sum3A_244 = tpu.scan <sum>, %add3A_241 masked %reduce_sum3A_243 : vector<16xf32>, vector<16xi1> -> vector<16xf32>
      %reduce_sum3A_245 = vector.extract %reduce_sum3A_244[15] : f32 from vector<16xf32>
      %broadcast_in_dim3A_246 = vector.broadcast %reduce_sum3A_245 : f32 to vector<16xf32>
      %exp3A_247 = math.exp %broadcast_in_dim3A_246 : vector<16xf32>
      %div3A_248 = arith.divf %exp3A_247, %add3A_109 : vector<16xf32>
      %get3A_249 = arith.constant 512 : index
      %get3A_250 = tpu.vector_load %arg12[%get3A_249] {strides = array<i32>} : memref<640xf32, #tpu.memory_space<vmem>>, vector<16xf32>,
      %get3A_251 = arith.constant 528 : index
      %get3A_252 = tpu.vector_load %arg12[%get3A_251] {strides = array<i32>} : memref<640xf32, #tpu.memory_space<vmem>>, vector<16xf32>,
      %get3A_253 = arith.constant 544 : index
      %get3A_254 = tpu.vector_load %arg12[%get3A_253] {strides = array<i32>} : memref<640xf32, #tpu.memory_space<vmem>>, vector<16xf32>,
      %get3A_255 = arith.constant 560 : index
      %get3A_256 = tpu.vector_load %arg12[%get3A_255] {strides = array<i32>} : memref<640xf32, #tpu.memory_space<vmem>>, vector<16xf32>,
      %get3A_257 = arith.constant 576 : index
      %get3A_258 = tpu.vector_load %arg12[%get3A_257] {strides = array<i32>} : memref<640xf32, #tpu.memory_space<vmem>>, vector<16xf32>,
      %get3A_259 = arith.constant 592 : index
      %get3A_260 = tpu.vector_load %arg12[%get3A_259] {strides = array<i32>} : memref<640xf32, #tpu.memory_space<vmem>>, vector<16xf32>,
      %get3A_261 = arith.constant 608 : index
      %get3A_262 = tpu.vector_load %arg12[%get3A_261] {strides = array<i32>} : memref<640xf32, #tpu.memory_space<vmem>>, vector<16xf32>,
      %get3A_263 = arith.constant 624 : index
      %get3A_264 = tpu.vector_load %arg12[%get3A_263] {strides = array<i32>} : memref<640xf32, #tpu.memory_space<vmem>>, vector<16xf32>,
      %get3A_265 = arith.constant 0 : i32
      %get3A_266 = arith.index_cast %get3A_265 : i32 to index
      %get3A_267 = arith.constant 0 : index
      %get3A_268 = tpu.vector_load %arg7[%get3A_266, %get3A_267] {strides = array<i32>} : memref<24x128xf32, #tpu.memory_space<vmem>>, vector<16xf32>,
      %mul3A_269 = arith.mulf %get3A_268, %get3A_250 : vector<16xf32>
      %get3A_270 = arith.constant 0 : i32
      %get3A_271 = arith.index_cast %get3A_270 : i32 to index
      %get3A_272 = arith.constant 16 : index
      %get3A_273 = tpu.vector_load %arg7[%get3A_271, %get3A_272] {strides = array<i32>} : memref<24x128xf32, #tpu.memory_space<vmem>>, vector<16xf32>,
      %mul3A_274 = arith.mulf %get3A_273, %get3A_252 : vector<16xf32>
      %add3A_275 = arith.addf %mul3A_269, %mul3A_274 : vector<16xf32>
      %get3A_276 = arith.constant 0 : i32
      %get3A_277 = arith.index_cast %get3A_276 : i32 to index
      %get3A_278 = arith.constant 32 : index
      %get3A_279 = tpu.vector_load %arg7[%get3A_277, %get3A_278] {strides = array<i32>} : memref<24x128xf32, #tpu.memory_space<vmem>>, vector<16xf32>,
      %mul3A_280 = arith.mulf %get3A_279, %get3A_254 : vector<16xf32>
      %add3A_281 = arith.addf %add3A_275, %mul3A_280 : vector<16xf32>
      %get3A_282 = arith.constant 0 : i32
      %get3A_283 = arith.index_cast %get3A_282 : i32 to index
      %get3A_284 = arith.constant 48 : index
      %get3A_285 = tpu.vector_load %arg7[%get3A_283, %get3A_284] {strides = array<i32>} : memref<24x128xf32, #tpu.memory_space<vmem>>, vector<16xf32>,
      %mul3A_286 = arith.mulf %get3A_285, %get3A_256 : vector<16xf32>
      %add3A_287 = arith.addf %add3A_281, %mul3A_286 : vector<16xf32>
      %get3A_288 = arith.constant 0 : i32
      %get3A_289 = arith.index_cast %get3A_288 : i32 to index
      %get3A_290 = arith.constant 64 : index
      %get3A_291 = tpu.vector_load %arg7[%get3A_289, %get3A_290] {strides = array<i32>} : memref<24x128xf32, #tpu.memory_space<vmem>>, vector<16xf32>,
      %mul3A_292 = arith.mulf %get3A_291, %get3A_258 : vector<16xf32>
      %add3A_293 = arith.addf %add3A_287, %mul3A_292 : vector<16xf32>
      %get3A_294 = arith.constant 0 : i32
      %get3A_295 = arith.index_cast %get3A_294 : i32 to index
      %get3A_296 = arith.constant 80 : index
      %get3A_297 = tpu.vector_load %arg7[%get3A_295, %get3A_296] {strides = array<i32>} : memref<24x128xf32, #tpu.memory_space<vmem>>, vector<16xf32>,
      %mul3A_298 = arith.mulf %get3A_297, %get3A_260 : vector<16xf32>
      %add3A_299 = arith.addf %add3A_293, %mul3A_298 : vector<16xf32>
      %get3A_300 = arith.constant 0 : i32
      %get3A_301 = arith.index_cast %get3A_300 : i32 to index
      %get3A_302 = arith.constant 96 : index
      %get3A_303 = tpu.vector_load %arg7[%get3A_301, %get3A_302] {strides = array<i32>} : memref<24x128xf32, #tpu.memory_space<vmem>>, vector<16xf32>,
      %mul3A_304 = arith.mulf %get3A_303, %get3A_262 : vector<16xf32>
      %add3A_305 = arith.addf %add3A_299, %mul3A_304 : vector<16xf32>
      %get3A_306 = arith.constant 0 : i32
      %get3A_307 = arith.index_cast %get3A_306 : i32 to index
      %get3A_308 = arith.constant 112 : index
      %get3A_309 = tpu.vector_load %arg7[%get3A_307, %get3A_308] {strides = array<i32>} : memref<24x128xf32, #tpu.memory_space<vmem>>, vector<16xf32>,
      %mul3A_310 = arith.mulf %get3A_309, %get3A_264 : vector<16xf32>
      %add3A_311 = arith.addf %add3A_305, %mul3A_310 : vector<16xf32>
      %reduce_sum3A_312 = arith.constant true
      %reduce_sum3A_313 = vector.broadcast %reduce_sum3A_312 : i1 to vector<16xi1>
      %reduce_sum3A_314 = tpu.scan <sum>, %add3A_311 masked %reduce_sum3A_313 : vector<16xf32>, vector<16xi1> -> vector<16xf32>
      %reduce_sum3A_315 = vector.extract %reduce_sum3A_314[15] : f32 from vector<16xf32>
      %broadcast_in_dim3A_316 = vector.broadcast %reduce_sum3A_315 : f32 to vector<16xf32>
      %exp3A_317 = math.exp %broadcast_in_dim3A_316 : vector<16xf32>
      %div3A_318 = arith.divf %exp3A_317, %get3A_111 : vector<16xf32>
      %iota3A = tpu.iota {dimensions = array<i32: 0>} : vector<16xi32>
      %add3A_319 = arith.constant 1.000000e+00 : f32
      %add3A_320 = vector.broadcast %add3A_319 : f32 to vector<16xf32>
      %add3A_321 = arith.addf %broadcast_in_dim3A_0, %add3A_320 : vector<16xf32>
      %eq3A_322 = arith.constant 0 : i32
      %eq3A_323 = vector.broadcast %eq3A_322 : i32 to vector<16xi32>
      %eq3A_324 = arith.cmpi eq, %iota3A, %eq3A_323 : vector<16xi32>
      %eq3A_325 = arith.constant 1 : i32
      %eq3A_326 = vector.broadcast %eq3A_325 : i32 to vector<16xi32>
      %eq3A_327 = arith.cmpi eq, %iota3A, %eq3A_326 : vector<16xi32>
      %eq3A_328 = arith.constant 2 : i32
      %eq3A_329 = vector.broadcast %eq3A_328 : i32 to vector<16xi32>
      %eq3A_330 = arith.cmpi eq, %iota3A, %eq3A_329 : vector<16xi32>
      %eq3A_331 = arith.constant 3 : i32
      %eq3A_332 = vector.broadcast %eq3A_331 : i32 to vector<16xi32>
      %eq3A_333 = arith.cmpi eq, %iota3A, %eq3A_332 : vector<16xi32>
      %select_n3A_334 = arith.select %eq3A_333, %add3A_321, %broadcast_in_dim3A_0 : vector<16xi1>, vector<16xf32>
      %select_n3A_335 = arith.select %eq3A_330, %div3A_318, %select_n3A_334 : vector<16xi1>, vector<16xf32>
      %select_n3A_336 = arith.select %eq3A_327, %div3A_248, %select_n3A_335 : vector<16xi1>, vector<16xf32>
      %select_n3A_337 = arith.select %eq3A_324, %div3A, %select_n3A_336 : vector<16xi1>, vector<16xf32>
      %get3A_338 = arith.constant 0 : index
      %get3A_339 = tpu.vector_load %arg13[%get3A_338] {strides = array<i32>} : memref<16xf32, #tpu.memory_space<vmem>>, vector<16xf32>,
      %mul3A_340 = arith.mulf %select_n3A_337, %get3A_339 : vector<16xf32>
      %reduce_sum3A_341 = arith.constant true
      %reduce_sum3A_342 = vector.broadcast %reduce_sum3A_341 : i1 to vector<16xi1>
      %reduce_sum3A_343 = tpu.scan <sum>, %mul3A_340 masked %reduce_sum3A_342 : vector<16xf32>, vector<16xi1> -> vector<16xf32>
      %reduce_sum3A_344 = vector.extract %reduce_sum3A_343[15] : f32 from vector<16xf32>
      %broadcast_in_dim3A_345 = vector.broadcast %reduce_sum3A_344 : f32 to vector<16xf32>
      %swap3A = arith.constant 0 : index
      %swap3A_346 = tpu.vector_load %arg14[%swap3A] {strides = array<i32>} : memref<32xf32, #tpu.memory_space<vmem>>, vector<16xf32>,
      tpu.vector_store %arg14[%swap3A], %broadcast_in_dim3A_345 {strides = array<i32>} : memref<32xf32, #tpu.memory_space<vmem>>, vector<16xf32>,
      %sub3A = arith.constant 1.000000e+00 : f32
      %sub3A_347 = vector.broadcast %sub3A : f32 to vector<16xf32>
      %sub3A_348 = arith.subf %sub3A_347, %broadcast_in_dim3A_345 : vector<16xf32>
      %swap3A_349 = arith.constant 16 : index
      %swap3A_350 = tpu.vector_load %arg14[%swap3A_349] {strides = array<i32>} : memref<32xf32, #tpu.memory_space<vmem>>, vector<16xf32>,
      tpu.vector_store %arg14[%swap3A_349], %sub3A_348 {strides = array<i32>} : memref<32xf32, #tpu.memory_space<vmem>>, vector<16xf32>,
      "tpu.region"() ({
        %run_scoped3A = tpu.sem_alloc : memref<!tpu.dma_semaphore, #tpu.memory_space<semaphore_mem>>
        tpu.enqueue_dma source(%arg14 : memref<32xf32, #tpu.memory_space<vmem>>) target(%arg5 : memref<32xf32, #tpu.memory_space<hbm>>) target_semaphore(%run_scoped3A : memref<!tpu.dma_semaphore, #tpu.memory_space<semaphore_mem>>)
        tpu.wait_dma2 semaphore(%run_scoped3A : memref<!tpu.dma_semaphore, #tpu.memory_space<semaphore_mem>>) src(%arg14 : memref<32xf32, #tpu.memory_space<vmem>>) dst(%arg5 : memref<32xf32, #tpu.memory_space<hbm>>)
        tpu.yield
      }) : () -> ()
    } else {
    }
    return
  }
}

</mosaic_0001>

<sc_bundles>
// kernel: kernel.3.cloned.1.call-start
scs
__scs_entry_jumppad:
0x0: {  	(pc) =	sbr.rel $0x88, $3  }
0x1: {  	(tag) =	ssettag $0x0;
	lr =	simm.s32 $0x1  }
0x2: {  	[smem:$0x3F9A] =	sst lr;
	_ =	strace $0xD0000000  }
0x3: {  	_ = 	snop  }
0x4: {  	_ = 	snop  }
0x5: {  	_ = 	snop  }
0x6: {  	_ = 	snop  }
0x7: {  	_ = 	snop  }
__scs_overlays_trampoline_lowered:
0x8: {  	[smem:$0x3FA9] =	sst s0  }
0x9: {  	[smem:$0x3FAA] =	sst s1  }
0xa: {  	[smem:$0x3FAB] =	sst s2  }
0xb: {  	[smem:$0x3FAC] =	sst s3  }
0xc: {  	[smem:$0x3FAD] =	sst s4  }
0xd: {  	[smem:$0x3FAE] =	sst s5  }
0xe: {  	[smem:$0x3FAF] =	sst s6  }
0xf: {  	[smem:$0x3FB0] =	sst s7  }
0x10: {  	[smem:$0x3FB1] =	sst s8  }
0x11: {  	[smem:$0x3FB2] =	sst s9;
	s0 =	simm.s32 @!p0 $0x0  }
0x12: {  	s1 =	sld [smem:$0x3F98];
	s0 =	simm.s32 @p0 $0x1  }
0x13: {  	[smem:$0x3FB3] =	sst s0;
	s0 =	simm.s32 @!p1 $0x0  }
0x14: {  	s2 =	sld [smem:$0x3F97];
	s0 =	simm.s32 @p1 $0x1  }
0x15: {  	[smem:$0x3FB4] =	sst s0;
	s0 =	simm.s32 @!p2 $0x0  }
0x16: {  	s3 =	sld [smem:$0x3FDB];
	s0 =	simm.s32 @p2 $0x1  }
0x17: {  	s4 =	simm.s32 $0x1BF5;
	[smem:$0x3FB6] =	sst s0  }
0x18: {  	s0 =	sld [smem:$0x3F99];
	_ =	swait.ge [sflag:s4], $0x0  }
0x19: {  	s7 =	sld [smem:$0x3F9A]  }
0x1a: {  	s8 =	sadd.s32 $0xFFFFE003, lr  }
0x1b: {  	s9 =	sadd.s32 $0xFFFFFEF7, lr;
	s5 =	simm.s32 $0xFFFFFFFF;
	p2 =	slt.u32 s8, $0xFFFFF086  }
0x1c: {  	p1 =	slt.u32 s9, $0xF7A;
	s5 =	simm.s32 @!p2 $0x0  }
0x1d: {  	s5 =	simm.s32 @p1 $0x1;
	p0 =	seq.s32 s7, s2  }
0x1e: {  	s7 =	smul.u32 @!p0 $0xF7A, s2;
	p2 =	seq.s32 @!p0 s5, $0x0  }
0x1f: {  	s9 =	smul.u32 $0xF7A, s1;
	s8 =	simm.s32 @!p0 $0x1BF5;
	p2 =	por !p2, p0  }
0x20: {  	[sflag:s8] =	ssyncset.s32 @!p0 $0xFFFFF086;
	s6 =	sadd.s32 @!p0 s3, s7;
	s7 =	simm.s32 @!p0 $0x108  }
0x21: {  	s3 =	sadd.s32 s3, s9;
	s6 =	sadd.s32 @!p0 $0x88, s6;
	s7 =	simm.s32 @p2 $0x1082  }
0x22: {  	[simem:s7], [sflag:s8] =	dma.local @!p0 [hbm:s6], $0xF7A  }
0x23: {  	s9 =	sor.u32 $0xD0000000, s2;
	s6 =	simm.s32 $0x108;
	_ =	swait.ge @!p0 [sflag:s8], $0x0  }
0x24: {  	s3 =	sadd.s32 $0x88, s3;
	s6 =	simm.s32 @!p1 $0x1082;
	[sflag:s4] =	ssyncset.s32 $0xFFFFF086  }
0x25: {  	[simem:s6], [sflag:s4] =	dma.local [hbm:s3], $0xF7A  }
0x26: {  	[smem:$0x3F9A] =	sst s1;
	(tag) =	ssettag s2;
	_ =	strace s9  }
0x27: {  	s1 =	sld [smem:$0x3FAA]  }
0x28: {  	s2 =	sld [smem:$0x3FAB]  }
0x29: {  	s4 =	sld [smem:$0x3FAD]  }
0x2a: {  	p0 =	seq.s32 s5, $0x0;
	s5 =	sld [smem:$0x3FAE]  }
0x2b: {  	s6 =	sld [smem:$0x3FAF]  }
0x2c: {  	s7 =	sld [smem:$0x3FB0]  }
0x2d: {  	s3 =	simm.s32 $0x108;
	s8 =	sld [smem:$0x3FB1]  }
0x2e: {  	s3 =	simm.s32 @!p0 $0x1082;
	s9 =	sld [smem:$0x3FB2]  }
0x2f: {  	lr =	sadd.s32 s0, s3;
	s0 =	sld [smem:$0x3FA9]  }
0x30: {  	s3 =	sld [smem:$0x3FAC]  }
0x31: {  	[smem:$0x3FB5] =	sst s10  }
0x32: {  	s10 =	sld [smem:$0x3FB3];
	_ =	sdelay $0x3  }
0x33: {  	p0 =	seq.s32 s10, $0x1;
	s10 =	sld [smem:$0x3FB5];
	_ =	sdelay $0x3  }
0x34: {  	[smem:$0x3FB5] =	sst s10  }
0x35: {  	s10 =	sld [smem:$0x3FB4];
	_ =	sdelay $0x3  }
0x36: {  	p1 =	seq.s32 s10, $0x1;
	s10 =	sld [smem:$0x3FB5];
	_ =	sdelay $0x3  }
0x37: {  	[smem:$0x3FB5] =	sst s10  }
0x38: {  	s10 =	sld [smem:$0x3FB6]  }
0x39: {  	_ = 	snop;
	(pc) =	sbr.ind lr, $3  }
0x3a: {  	_ = 	snop  }
0x3b: {  	_ = 	snop  }
0x3c: {  	p2 =	seq.s32 s10, $0x1;
	s10 =	sld [smem:$0x3FB5]  }
0x3d: {  	_ =	shalt  }
0x3e: {  	_ =	shalt  }
0x3f: {  	_ =	shalt  }
0x40: {  	_ =	shalt  }
0x41: {  	_ =	shalt  }
0x42: {  	_ =	shalt  }
0x43: {  	_ =	shalt  }
0x44: {  	_ =	shalt  }
0x45: {  	_ =	shalt  }
0x46: {  	_ =	shalt  }
0x47: {  	_ =	shalt  }
0x48: {  	_ =	shalt  }
0x49: {  	_ =	shalt  }
0x4a: {  	_ =	shalt  }
0x4b: {  	_ =	shalt  }
0x4c: {  	_ =	shalt  }
0x4d: {  	_ =	shalt  }
0x4e: {  	_ =	shalt  }
0x4f: {  	_ =	shalt  }
0x50: {  	_ =	shalt  }
0x51: {  	_ =	shalt  }
0x52: {  	_ =	shalt  }
0x53: {  	_ =	shalt  }
0x54: {  	_ =	shalt  }
0x55: {  	_ =	shalt  }
0x56: {  	_ =	shalt  }
0x57: {  	_ =	shalt  }
0x58: {  	_ =	shalt  }
0x59: {  	_ =	shalt  }
0x5a: {  	_ =	shalt  }
0x5b: {  	_ =	shalt  }
0x5c: {  	_ =	shalt  }
0x5d: {  	_ =	shalt  }
0x5e: {  	_ =	shalt  }
0x5f: {  	_ =	shalt  }
0x60: {  	_ =	shalt  }
0x61: {  	_ =	shalt  }
0x62: {  	_ =	shalt  }
0x63: {  	_ =	shalt  }
0x64: {  	_ =	shalt  }
0x65: {  	_ =	shalt  }
0x66: {  	_ =	shalt  }
0x67: {  	_ =	shalt  }
0x68: {  	_ =	shalt  }
0x69: {  	_ =	shalt  }
0x6a: {  	_ =	shalt  }
0x6b: {  	_ =	shalt  }
0x6c: {  	_ =	shalt  }
0x6d: {  	_ =	shalt  }
0x6e: {  	_ =	shalt  }
0x6f: {  	_ =	shalt  }
0x70: {  	_ =	shalt  }
0x71: {  	_ =	shalt  }
0x72: {  	_ =	shalt  }
0x73: {  	_ =	shalt  }
0x74: {  	_ =	shalt  }
0x75: {  	_ =	shalt  }
0x76: {  	_ =	shalt  }
0x77: {  	_ =	shalt  }
0x78: {  	_ =	shalt  }
0x79: {  	_ =	shalt  }
0x7a: {  	_ =	shalt  }
0x7b: {  	_ =	shalt  }
0x7c: {  	_ =	shalt  }
0x7d: {  	_ =	shalt  }
0x7e: {  	_ =	shalt  }
0x7f: {  	_ =	shalt  }
0x80: {  	_ =	shalt  }
0x81: {  	_ =	shalt  }
0x82: {  	_ =	shalt  }
0x83: {  	_ =	shalt  }
0x84: {  	_ =	shalt  }
0x85: {  	_ =	shalt  }
0x86: {  	_ =	shalt  }
0x87: {  	_ =	shalt  }
.Lfunc_end0:
.L_simem_size_0:
called_computation_lowered:
.L_overlay_start_0:
0x88: {  	s0 =	sld [smem:$0x3FD9]  }
0x89: {  	s1 =	sld [smem:$0x3FFE];
	_ =	sdelay $0x3  }
0x8a: {  	s0 =	sadd.s32 s1, s0  }
0x8b: {  	[smem:$0x3FC1] =	sst s0  }
0x8c: {  	_ = 	snop  }
0x8d: {  	s0 =	sld [smem:$0x3FD0];
	_ =	sdelay $0x2  }
0x8e: {  	s2 =	simm.s32 $0xA;
	s3 =	simm.s32 $0x10;
	s13 =	sld [smem:$0x3FC5]  }
0x8f: {  	[smem:s3], [sflag:s2] =	dma.local [hbm:s0], $0x1  }
0x90: {  	_ =	swait.eq [sflag:s2], $0x1  }
0x91: {  	[sflag:s2] =	ssyncset.done $0x0  }
0x92: {  	[sflag:s2] =	ssyncadd.s32 $0xFFFFFFFF  }
0x93: {  	s14 =	sld [smem:$0x10];
	(tm) =	ssettm $0x1  }
0x94: {  	s15 =	sld [smem:$0x3FFB];
	_ =	sdelay $0x3  }
0x95: {  	_ =	strace s15  }
0x96: {  	s2 =	sld [smem:$0x3FFC];
	_ =	sdelay $0x3  }
0x97: {  	_ =	strace s2  }
0x98: {  	s2 =	sld [smem:$0x3FFD];
	_ =	sdelay $0x3  }
0x99: {  	_ =	strace s2  }
0x9a: {  	_ =	strace $0x8FFFFFFF  }
0x9b: {  	s16 =	sld [smem:$0x3FDB];
	_ =	sdelay $0x1  }
0x9c: {  	s17 =	simm.s32 $_scs_section_size  }
0x9d: {  	s4 =	simm.s32 $_size__tile_overlayer_lowered;
	s5 =	simm.s32 $_tile_overlayer_lowered  }
0x9e: {  	s20 =	simm.s32 $0x1BFF;
	s19 =	sshll.u32 s5, $0x1;
	s2 =	sadd.s32 s17, s16  }
0x9f: {  	s6 =	simm.s32 $0x0;
	s18 =	sshll.u32 s4, $0x1;
	s4 =	sadd.s32 s19, s2  }
0xa0: {  	[timem:s6], [sflag:s20] =	dma.local [hbm:s4], s18  }
0xa1: {  	_ =	swait.ge [sflag:s20], s18  }
0xa2: {  	s3 =	ssub.s32 $0x0, s18;
	[sflag:s20] =	ssyncset.done $0x0  }
0xa3: {  	[sflag:s20] =	ssyncadd.s32 s3;
	_ =	sdelay $0x1  }
0xa4: {  	s21 =	simm.s32 $0x1B8B  }
0xa5: {  	_ =	swait.ge [sflag:s21], $0x1  }
0xa6: {  	[sflag:s21] =	ssyncset.done $0x0  }
0xa7: {  	s23 =	simm.s32 $0x1B8E;
	s22 =	sld [smem:$0x3FFE];
	[sflag:s21] =	ssyncadd.s32 $0xFFFFFFFF  }
0xa8: {  	s24 =	simm.s32 $execute0_lowered;
	[smem:$0x3FD2] =	sst s23  }
0xa9: {  	s4 =	sshll.u32 s24, $0x1;
	_ =	strace $0x80000046;
	[dreg:$0x1] =	wrdreg $0xFFFFFFFF  }
0xaa: {  	s25 =	simm.s32 $_size_execute0_lowered;
	s2 =	sadd.s32 s2, s4;
	[dreg:$0x0] =	wrdreg $0x0  }
0xab: {  	s4 =	sshll.u32 s25, $0x1;
	[dreg:$0x2] =	wrdreg s2  }
0xac: {  	[dreg:$0x3] =	wrdreg s4  }
0xad: {  	[dreg:$0x4] =	wrdreg $0xC0  }
0xae: {  	_ =	task [dreg:s6], $0x5FFFF  }
0xaf: {  	[dreg:$0x1] =	wrdreg $0xFFFFFFFF  }
0xb0: {  	[dreg:$0x0] =	wrdreg $0x60  }
0xb1: {  	[dreg:$0x2] =	wrdreg s22  }
0xb2: {  	[dreg:$0x3] =	wrdreg s13  }
0xb3: {  	[dreg:$0x4] =	wrdreg s14  }
0xb4: {  	[dreg:$0x5] =	wrdreg $0x18000  }
0xb5: {  	[dreg:$0x6] =	wrdreg $0x18D00  }
0xb6: {  	[dreg:$0x7] =	wrdreg $0x9  }
0xb7: {  	_ =	task.clear_ibuf [dreg:s6], $0x8FFFF;
	_ =	strace $0x90000046  }
0xb8: {  	s26 =	simm.s32 $0x9;
	_ =	strace $0x80000048  }
0xb9: {  	_ =	swait.ge [sflag:s26], $0x1  }
0xba: {  	[sflag:s26] =	ssyncadd.s32 $0xFFFFFFFF  }
0xbb: {  	_ =	strace $0x90000048  }
0xbc: {  	_ =	sfence  }
0xbd: {  	s28 =	sld [smem:$0x0];
	_ =	sdelay $0x1  }
0xbe: {  	s29 =	srdreg.scid  }
0xbf: {  	s30 =	sshll.u32 s29, $0xD;
	s31 =	sshrl.u32 s29, $0x2  }
0xc0: {  	s1 =	sand.u32 $0x1, s29;
	s2 =	sand.u32 $0x4000, s30;
	s0 =	sadd.s32 s31, s28  }
0xc1: {  	s1 =	sor.u32 s2, s1;
	s0 =	sshll.u32 s0, $0x11  }
0xc2: {  	s0 =	sor.u32 s0, s1  }
0xc3: {  	s0 =	sadd.s32 $0x8F2B, s0  }
0xc4: {  	[sflag:s0] =	ssyncadd.remote.s32 $0x1  }
0xc5: {  	_ =	sfence.sel $0xFFFF  }
0xc6: {  	[dreg:$0x0] =	wrdreg $0xFFFFFFFF;
	(pc) =	sbr.abs _section_cstart, $3  }
0xc7: {  	[dreg:$0x1] =	wrdreg $0xFFFFFFFF  }
0xc8: {  	_ =	task.clear_ibuf [dreg:s6], $0x2FFFF;
	_ =	strace $0x9FFFFFFF  }
0xc9: {  	(tm) =	ssettm $0x7FFFFFFF  }
tec
execute0_lowered:
.L_overlay_start_1:
0x0: {  	(tag) =	ssettag $0x1  }
0x1: {  	s2 =	rddreg [dreg:$0x0]  }
0x2: {  	s5 =	rddreg [dreg:$0x1]  }
0x3: {  	s6 =	rddreg [dreg:$0x2]  }
0x4: {  	s4 =	rddreg [dreg:$0x3]  }
0x5: {  	s3 =	rddreg [dreg:$0x4]  }
0x6: {  	s0 =	rddreg [dreg:$0x5];
	s8 =	simm.s32 $0x0;
	s1 =	stileid.u32  }
0x7: {  	s29 =	simm.s32 $0x2;
	[smem:$0x7FF] =	sst s8;
	p0 =	sne.s32 s1, $0xE  }
0x8: {  	s7 =	smul.u32 $0x3, s1;
	p1 =	slt.u32 s1, $0xA;
	p2 =	seq.s32 s1, $0xD  }
0x9: {  	_ =	strace $0x80000047;
	s9 =	simm.s32 @!p0 $0x0;
	s10 =	simm.s32 @!p0 $0x1700  }
0xa: {  	[tilespmem:s10], [sflag:$0x2] =	stream.linear.gather @!p0 [hbm4b:s6+s9], $0x80, $0x38;
	[tilespmem:$0x18F8] =	vst v63  }
0xb: {  	p3 =	seq.s32 s1, $0xC;
	s9 =	simm.s32 @!p0 $0x2;
	s6 =	simm.s32 $0x14  }
0xc: {  	p4 =	slt.u32 s1, $0xC;
	_ =	swait.ge @!p0 [sflag:s9], $0x80;
	s6 =	simm.s32 @!p2 $0x0  }
0xd: {  	s7 =	sadd.s32 s7, s2;
	[sflag:s9] =	ssyncset.done @!p0 $0x0;
	s6 =	simm.s32 @p3 $0x10  }
0xe: {  	s7 =	sadd.s32 $0x800, s7;
	[sflag:s9] =	ssyncadd.s32 @!p0 $0xFFFFFF80;
	s6 =	simm.s32 @p4 $0x11  }
0xf: {  	[tilespmem:s8], [sflag:$0x2] =	stream.linear.gather [hbm4b:s7+s8], $0x18, $0x38;
	[tilespmem:$0x18F8] =	vst v63  }
0x10: {  	s30 =	simm.s32 $0x18;
	s6 =	simm.s32 @p1 $0x14;
	_ =	swait.ge [sflag:s29], $0x18  }
0x11: {  	s31 =	simm.s32 $0x80;
	p3 =	seq.s32 s6, $0x0;
	[sflag:s29] =	ssyncset.done $0x0  }
.Ltmp0:
0x12: {  	s7 =	simm.s32 $0x1;
	[sflag:s29] =	ssyncadd.s32 $0xFFFFFFE8;
	(pc) =	sbr.rel @p3 .LBB2_24-.Ltmp0, $4  }
0x13: {  	[tilespmem:s31], [sflag:$0x1] =	stream.indirect.gather [hbm4b:s5+s30], $0x80, s8, s30, $0xb8;
	[tilespmem:$0x18F8] =	vst v63  }
0x14: {  	_ =	swait.ge [sflag:s7], $0xC00  }
0x15: {  	[sflag:s7] =	ssyncset.done $0x0  }
0x16: {  	[sflag:s7] =	ssyncadd.s32 $0xFFFFF400  }
0x17: {  	p3 =	slt.u32 s1, $0xD;
	s7 =	simm.s32 @!p2 $0x0;
	s5 =	smul.u32 $0x240, s1  }
0x18: {  	p2 =	seq.s32 s1, $0x0;
	s8 =	simm.s32 $0x5A0;
	p4 =	seq.s32 s1, $0xA  }
0x19: {  	s31 =	sshll.u32 s1, $0x4;
	s11 =	simm.s32 $0x180;
	p5 =	sne.s32 s6, $0x1  }
.Ltmp1:
0x1a: {  	s10 =	simm.s32 $0xC0;
	s6 =	sadd.s32 $0xFFFFFFFF, s6;
	(pc) =	sbr.rel @!p5 .LBB2_2-.Ltmp1, $4  }
0x1b: {  	s7 =	simm.s32 @p3 $0x3;
	s8 =	simm.s32 @!p3 $0x750;
	s11 =	simm.s32 @!p4 $0x200  }
0x1c: {  	s7 =	simm.s32 @p1 $0xA;
	s5 =	sshrl.u32 s5, $0x2;
	s8 =	simm.s32 @p1 $0x0  }
0x1d: {  	s11 =	simm.s32 @p2 $0x100;
	p1 =	por $0x0, $0x0;
	s9 =	sadd.s32 s5, s4  }
0x1e: {  	v0 =	vimm.f32 $0.0e+00;
	v9 =	vld [tilespmem:s10+$0xFFFFFFC0];
	s8 =	sadd.s32 s8, s4;
	s5 =	sadd.s32 s31, s3;
	s4 =	sadd.s32 s11, s3  }
0x1f: {  	_ = 	snop  }
0x20: {  	v1 =	vld [tilespmem:s10+$0xFFFFFFD0];
	_ =	sdelay $0x1  }
0x21: {  	v2 =	vld [tilespmem:s10+$0xFFFFFFE0]  }
0x22: {  	v3 =	vmul.f32 v9, v9  }
0x23: {  	v4 =	vld [tilespmem:s10+$0xFFFFFFF0]  }
0x24: {  	v5 =	vmul.f32 v1, v1;
	v3 =	vadd.f32 v3, v0  }
0x25: {  	v6 =	vld [tilespmem:s10+$0x0]  }
0x26: {  	v3 =	vadd.f32 v5, v3;
	v5 =	vmul.f32 v2, v2  }
0x27: {  	v7 =	vld [tilespmem:s10+$0x10]  }
0x28: {  	p2 =	sne.s32 s6, $0x1;
	v8 =	vmul.f32 v4, v4;
	v5 =	vadd.f32 v5, v3  }
.Ltmp2:
0x29: {  	v10 =	vld [tilespmem:s10+$0x20];
	v1 =	vadd.f32 v1, v0;
	(pc) =	sbr.rel @!p2 .LBB2_4-.Ltmp2, $4  }
0x2a: {  	v3 =	vadd.f32 v9, v0;
	v9 =	vmul.f32 v6, v6;
	v8 =	vadd.f32 v8, v5  }
0x2b: {  	v11 =	vld [tilespmem:s10+$0x30];
	v4 =	vadd.f32 v4, v0;
	v2 =	vadd.f32 v2, v0  }
0x2c: {  	s10 =	simm.s32 $0x140;
	v13 =	vmul.f32 v7, v7;
	v5 =	vadd.f32 v6, v0;
	v12 =	vadd.f32 v9, v8  }
0x2d: {  	s11 =	sadd.s32 $0xFFFFFFFF, s6;
	p1 =	por $0x1, $0x1;
	v6 =	vadd.f32 v7, v0;
	v7 =	vimm.f32 $0.0e+00;
	v9 =	vld [tilespmem:s10+$0xFFFFFFC0];
	v8 =	vimm.f32 $0.0e+00  }
.LBB2_5:
0x2e: {  	p2 =	sne.s32 s11, $0x1;
	v8 =	vadd.f32 v10, v8;
	v12 =	vadd.f32 v13, v12;
	v10 =	vmul.f32 v10, v10  }
0x2f: {  	v13 =	vld [tilespmem:s10+$0xFFFFFFD0]  }
0x30: {  	v7 =	vadd.f32 v11, v7;
	v10 =	vadd.f32 v10, v12;
	v11 =	vmul.f32 v11, v11  }
0x31: {  	v12 =	vld [tilespmem:s10+$0xFFFFFFE0]  }
0x32: {  	v3 =	vadd.f32 v9, v3;
	v9 =	vmul.f32 v9, v9;
	v10 =	vadd.f32 v11, v10  }
0x33: {  	v11 =	vld [tilespmem:s10+$0xFFFFFFF0]  }
0x34: {  	v1 =	vadd.f32 v13, v1;
	v9 =	vadd.f32 v9, v10;
	v10 =	vmul.f32 v13, v13  }
0x35: {  	v13 =	vld [tilespmem:s10+$0x0]  }
0x36: {  	v2 =	vadd.f32 v12, v2;
	v9 =	vadd.f32 v10, v9;
	v10 =	vmul.f32 v12, v12  }
0x37: {  	v14 =	vld [tilespmem:s10+$0x10]  }
0x38: {  	v4 =	vadd.f32 v11, v4;
	v9 =	vadd.f32 v10, v9;
	v11 =	vmul.f32 v11, v11  }
.Ltmp3:
0x39: {  	v10 =	vld [tilespmem:s10+$0x20];
	(pc) =	sbr.rel @p2 .LBB2_5-.Ltmp3, $4  }
0x3a: {  	v5 =	vadd.f32 v13, v5;
	v9 =	vadd.f32 v11, v9;
	v12 =	vmul.f32 v13, v13  }
0x3b: {  	v11 =	vld [tilespmem:s10+$0x30]  }
0x3c: {  	s10 =	sadd.s32 $0x80, s10;
	v6 =	vadd.f32 v14, v6;
	v12 =	vadd.f32 v12, v9;
	v13 =	vmul.f32 v14, v14  }
0x3d: {  	s11 =	sadd.s32 $0xFFFFFFFF, s11;
	v9 =	vld [tilespmem:s10+$0xFFFFFFC0]  }
.LBB2_6:
0x3e: {  	v12 =	vadd.f32 @p1 v13, v12;
	v13 =	vmul.f32 @p1 v10, v10;
	_ =	sdelay $0x1  }
0x3f: {  	v14 =	vld [tilespmem:s10+$0xFFFFFFD0];
	v12 =	vadd.f32 @p1 v13, v12;
	v13 =	vmul.f32 @p1 v11, v11;
	_ =	sdelay $0x1  }
0x40: {  	v15 =	vld [tilespmem:s10+$0xFFFFFFE0];
	v12 =	vadd.f32 @p1 v13, v12  }
0x41: {  	v59 =	vmul.f32 v9, v9  }
0x42: {  	v16 =	vld [tilespmem:s10+$0xFFFFFFF0];
	v12 =	vpsel p1, v12, v0  }
0x43: {  	v60 =	vmul.f32 v14, v14;
	v12 =	vadd.f32 v59, v12  }
0x44: {  	v17 =	vld [tilespmem:s10+$0x0]  }
0x45: {  	v61 =	vmul.f32 v15, v15;
	v12 =	vadd.f32 v60, v12  }
0x46: {  	v18 =	vld [tilespmem:s10+$0x10]  }
0x47: {  	v62 =	vmul.f32 v16, v16;
	v12 =	vadd.f32 v61, v12  }
0x48: {  	v19 =	vld [tilespmem:s10+$0x20]  }
0x49: {  	v3 =	vadd.f32 v9, v3;
	v63 =	vmul.f32 v17, v17;
	v9 =	vadd.f32 v62, v12  }
0x4a: {  	v8 =	vadd.f32 @p1 v10, v8;
	v10 =	vld [tilespmem:s10+$0x30];
	v1 =	vadd.f32 v14, v1  }
0x4b: {  	v2 =	vadd.f32 v15, v2;
	[tilespmem:$0xC80] =	vst v3;
	v3 =	vmul.f32 v18, v18;
	v9 =	vadd.f32 v63, v9  }
0x4c: {  	v7 =	vadd.f32 @p1 v11, v7;
	v4 =	vadd.f32 v16, v4;
	[tilespmem:$0xC90] =	vst v1  }
0x4d: {  	v1 =	vadd.f32 v17, v5;
	v5 =	vmul.f32 v19, v19;
	[tilespmem:$0xCA0] =	vst v2;
	v3 =	vadd.f32 v3, v9  }
0x4e: {  	v7 =	vpsel p1, v7, v0;
	v2 =	vadd.f32 v18, v6;
	v6 =	vpsel p1, v8, v0;
	[tilespmem:$0xCB0] =	vst v4  }
0x4f: {  	v4 =	vadd.f32 v19, v6;
	[tilespmem:$0xCC0] =	vst v1;
	v3 =	vadd.f32 v5, v3;
	v5 =	vmul.f32 v10, v10  }
0x50: {  	v1 =	vadd.f32 v10, v7;
	[tilespmem:$0xCD0] =	vst v2  }
0x51: {  	[tilespmem:$0xCE0] =	vst v4;
	v2 =	vadd.f32 v5, v3  }
0x52: {  	[tilespmem:$0xCF0] =	vst v1  }
0x53: {  	s29 =	simm.s32 $0xC80;
	s30 =	simm.s32 $0x2;
	[tilespmem:$0xD00] =	vst v2  }
0x54: {  	[spmem:s9] =	stream.linear.scatter [tilespmem:s29], [sflag:$0x2], $0x90, $0x38;
	[tilespmem:$0x18F8] =	vst v63  }
0x55: {  	_ =	swait.ge [sflag:s30], $0x90  }
0x56: {  	[sflag:s30] =	ssyncset.done $0x0  }
0x57: {  	p1 =	seq.s32 s7, $0x0;
	[sflag:s30] =	ssyncadd.s32 $0xFFFFFF70  }
.Ltmp4:
0x58: {  	s31 =	simm.s32 $0xE00;
	[bflag:$0x0] =	sbarrier.arrive $0xFFFF;
	(pc) =	sbr.rel @p1 .LBB2_10-.Ltmp4, $4  }
0x59: {  	[tilespmem:s31], [sflag:$0x2] =	stream.linear.gather [spmem:s8], $0x5A0, $0x38;
	[tilespmem:$0x18F8] =	vst v63  }
0x5a: {  	v8 =	vimm.f32 $0.0e+00;
	v6 =	vimm.f32 $0.0e+00;
	v7 =	vimm.f32 $0.0e+00;
	_ =	swait.ge [sflag:s30], $0x5A0  }
0x5b: {  	v4 =	vimm.f32 $0.0e+00;
	v1 =	vimm.f32 $0.0e+00;
	v9 =	vimm.f32 $0.0e+00;
	[sflag:s30] =	ssyncset.done $0x0  }
0x5c: {  	v3 =	vimm.f32 $0.0e+00;
	v5 =	vimm.f32 $0.0e+00;
	v2 =	vimm.f32 $0.0e+00;
	[sflag:s30] =	ssyncadd.s32 $0xFFFFFA60  }
0x5d: {  	s8 =	simm.s32 $0x0  }
0x5e: {  	s9 =	sand.u32 $0x7FFFFFF0, s8  }
0x5f: {  	s7 =	smul.u32 $0x90, s7;
	s8 =	simm.s32 $0xE40;
	v1 =	vld [tilespmem:s9+$0xE80]  }
0x60: {  	v2 =	vld [tilespmem:s8+$0x30]  }
0x61: {  	v4 =	vld [tilespmem:s8+$0xFFFFFFD0];
	p1 =	sne.s32 s7, $0x90  }
.Ltmp5:
0x62: {  	v11 =	vld [tilespmem:s8+$0xFFFFFFE0];
	(pc) =	sbr.rel @!p1 .LBB2_9-.Ltmp5, $4  }
0x63: {  	v12 =	vld [tilespmem:s8+$0xFFFFFFF0]  }
0x64: {  	v3 =	vimm.f32 $0.0e+00;
	v5 =	vimm.f32 $0.0e+00;
	v6 =	vimm.f32 $0.0e+00;
	v10 =	vld [tilespmem:s8+$0x0]  }
0x65: {  	v7 =	vimm.f32 $0.0e+00;
	v9 =	vimm.f32 $0.0e+00;
	v13 =	vld [tilespmem:s8+$0x10];
	v8 =	vadd.f32 v2, v3  }
0x66: {  	s9 =	simm.s32 $0x90;
	v14 =	vld [tilespmem:s8+$0x20];
	v1 =	vadd.f32 v1, v3;
	v2 =	vadd.f32 v4, v3;
	v4 =	vimm.f32 $0.0e+00  }
.LBB2_8:
0x67: {  	s10 =	sand.u32 $0x7FFFFFF0, s9;
	v15 =	vld [tilespmem:s8+$0xFFFFFFC0];
	v3 =	vadd.f32 v11, v3  }
0x68: {  	s9 =	sadd.s32 $0x90, s9;
	s8 =	sadd.s32 $0x90, s8;
	v16 =	vld [tilespmem:s10+$0xE80];
	v4 =	vadd.f32 v12, v4  }
0x69: {  	p1 =	sne.s32 s7, s9;
	v17 =	vld [tilespmem:s8+$0x30];
	v5 =	vadd.f32 v10, v5  }
0x6a: {  	v18 =	vld [tilespmem:s8+$0xFFFFFFD0];
	v6 =	vadd.f32 v13, v6  }
.Ltmp6:
0x6b: {  	v11 =	vld [tilespmem:s8+$0xFFFFFFE0];
	v7 =	vadd.f32 v14, v7;
	(pc) =	sbr.rel @p1 .LBB2_8-.Ltmp6, $4  }
0x6c: {  	v12 =	vld [tilespmem:s8+$0xFFFFFFF0];
	v9 =	vadd.f32 v15, v9  }
0x6d: {  	v10 =	vld [tilespmem:s8+$0x0]  }
0x6e: {  	v1 =	vadd.f32 v16, v1;
	v13 =	vld [tilespmem:s8+$0x10];
	v8 =	vadd.f32 v17, v8  }
0x6f: {  	v2 =	vadd.f32 v18, v2;
	v14 =	vld [tilespmem:s8+$0x20]  }
.LBB2_9:
0x70: {  	v15 =	vld [tilespmem:s8+$0xFFFFFFC0];
	_ =	sdelay $0x2  }
0x71: {  	v3 =	vadd.f32 v11, v3;
	v4 =	vadd.f32 v12, v4  }
0x72: {  	v5 =	vadd.f32 v10, v5;
	v6 =	vadd.f32 v13, v6  }
0x73: {  	v7 =	vadd.f32 v14, v7;
	v9 =	vadd.f32 v15, v9  }
.LBB2_10:
0x74: {  	(xrf2) =	vadd.scan.msk.f32 $0xffff, v1;
	_ =	sdelay $0x9  }
0x75: {  	v1, _, _ =	vpop (xrf2)  }
0x76: {  	v1 =	vbroadcast v1, $0xF;
	_ =	sdelay $0x1  }
0x77: {  	v10 =	vshrl.u32 v1, $0x1;
	v1 =	vmul.f32 $5.000000000e-01, v1  }
0x78: {  	v10 =	vsub.s32 $0x5F3759DF, v10  }
0x79: {  	v11 =	vmul.f32 v10, v1;
	_ =	sdelay $0x1  }
0x7a: {  	v11 =	vmul.f32 v10, v11;
	_ =	sdelay $0x1  }
0x7b: {  	v11 =	vsub.f32 $1.500000000e+00, v11;
	_ =	sdelay $0x1  }
0x7c: {  	v10 =	vmul.f32 v10, v11;
	_ =	sdelay $0x1  }
0x7d: {  	v11 =	vmul.f32 v10, v1;
	_ =	sdelay $0x1  }
0x7e: {  	v11 =	vmul.f32 v11, v10;
	_ =	sdelay $0x1  }
0x7f: {  	v11 =	vsub.f32 $1.500000000e+00, v11;
	_ =	sdelay $0x1  }
0x80: {  	v10 =	vmul.f32 v11, v10;
	_ =	sdelay $0x1  }
0x81: {  	v1 =	vmul.f32 v10, v1;
	_ =	sdelay $0x1  }
0x82: {  	v1 =	vmul.f32 v1, v10;
	_ =	sdelay $0x1  }
0x83: {  	v1 =	vsub.f32 $1.500000000e+00, v1;
	_ =	sdelay $0x1  }
0x84: {  	v11 =	vmul.f32 v1, v10  }
.Ltmp7:
0x85: {  	_ = 	snop;
	(pc) =	sbr.rel @!p5 .LBB2_11-.Ltmp7, $4  }
0x86: {  	v1 =	vmul.f32 v11, v9;
	v2 =	vmul.f32 v11, v2  }
0x87: {  	s7 =	simm.s32 $0xC0;
	v3 =	vmul.f32 v11, v3;
	v4 =	vmul.f32 v11, v4  }
0x88: {  	p1 =	por $0x0, $0x0;
	p2 =	por $0x0, $0x0;
	v13 =	vld [tilespmem:s7+$0xFFFFFFD0];
	v5 =	vmul.f32 v11, v5;
	v6 =	vmul.f32 v11, v6  }
0x89: {  	p3 =	por $0x0, $0x0;
	p4 =	por $0x0, $0x0;
	p6 =	por $0x0, $0x0;
	v10 =	vld [tilespmem:s7+$0xFFFFFFC0];
	v7 =	vmul.f32 v11, v7;
	v8 =	vmul.f32 v11, v8  }
0x8a: {  	_ = 	snop  }
0x8b: {  	v14 =	vld [tilespmem:s7+$0xFFFFFFE0];
	p5 =	sne.s32 s6, $0x1  }
.Ltmp8:
0x8c: {  	v11 =	vld [tilespmem:s7+$0xFFFFFFF0];
	(pc) =	sbr.rel @!p5 .LBB2_13-.Ltmp8, $4  }
0x8d: {  	v9 =	vld [tilespmem:s7+$0x10]  }
0x8e: {  	v12 =	vld [tilespmem:s7+$0x0];
	s8 =	simm.s32 $0x140;
	v13 =	vmul.f32 v13, v2;
	v15 =	vmul.f32 v10, v1  }
0x8f: {  	v10 =	vld [tilespmem:s8+$0xFFFFFFC0]  }
0x90: {  	s6 =	sadd.s32 $0xFFFFFFFF, s6;
	p1 =	por $0x1, $0x1;
	v22 =	vmul.f32 v14, v3;
	v20 =	vadd.f32 v13, v15;
	v13 =	vld [tilespmem:s8+$0xFFFFFFD0]  }
0x91: {  	v14 =	vld [tilespmem:s7+$0x20]  }
0x92: {  	v11 =	vmul.f32 v11, v4;
	v16 =	vld [tilespmem:s8+$0xFFFFFFE0];
	v15 =	vadd.f32 v22, v20  }
0x93: {  	v18 =	vld [tilespmem:s7+$0x30];
	p5 =	sne.s32 s6, $0x1  }
.Ltmp9:
0x94: {  	v19 =	vmul.f32 v9, v6;
	v9 =	vld [tilespmem:s8+$0x10];
	v12 =	vmul.f32 v12, v5;
	v15 =	vadd.f32 v11, v15;
	(pc) =	sbr.rel @!p5 .LBB2_15-.Ltmp9, $4  }
0x95: {  	s7 =	simm.s32 $0x1C0;
	v11 =	vld [tilespmem:s8+$0xFFFFFFF0]  }
0x96: {  	v20 =	vmul.f32 v10, v1;
	v10 =	vld [tilespmem:s7+$0xFFFFFFC0];
	v13 =	vmul.f32 v13, v2;
	v15 =	vadd.f32 v12, v15  }
0x97: {  	v12 =	vld [tilespmem:s8+$0x0];
	v17 =	vmul.f32 v14, v7;
	v22 =	vmul.f32 v16, v3  }
0x98: {  	s6 =	sadd.s32 $0xFFFFFFFF, s6;
	p2 =	por $0x1, $0x1;
	v21 =	vmul.f32 v18, v8;
	v20 =	vadd.f32 v13, v20;
	v13 =	vld [tilespmem:s7+$0xFFFFFFD0];
	v23 =	vadd.f32 v19, v15  }
0x99: {  	v14 =	vld [tilespmem:s8+$0x20]  }
0x9a: {  	v16 =	vld [tilespmem:s7+$0xFFFFFFE0];
	v15 =	vadd.f32 v22, v20;
	v11 =	vmul.f32 v11, v4  }
0x9b: {  	v18 =	vld [tilespmem:s8+$0x30];
	v19 =	vmul.f32 v9, v6;
	p5 =	sne.s32 s6, $0x1  }
.Ltmp10:
0x9c: {  	v9 =	vld [tilespmem:s7+$0x10];
	v17 =	vadd.f32 v17, v23;
	v15 =	vadd.f32 v11, v15;
	v12 =	vmul.f32 v12, v5;
	(pc) =	sbr.rel @!p5 .LBB2_17-.Ltmp10, $4  }
0x9d: {  	v10 =	vmul.f32 v10, v1;
	v11 =	vld [tilespmem:s7+$0xFFFFFFF0];
	v13 =	vmul.f32 v13, v2  }
0x9e: {  	s8 =	simm.s32 $0x240;
	v21 =	vadd.f32 v21, v17;
	v15 =	vadd.f32 v12, v15;
	v12 =	vld [tilespmem:s7+$0x0]  }
0x9f: {  	v17 =	vmul.f32 v14, v7;
	v20 =	vadd.f32 v13, v10;
	v10 =	vld [tilespmem:s8+$0xFFFFFFC0]  }
0xa0: {  	s6 =	sadd.s32 $0xFFFFFFFF, s6;
	p3 =	por $0x1, $0x1;
	(xrf2) =	vadd.scan.msk.f32 $0xffff, v21;
	v22 =	vmul.f32 v16, v3;
	v21 =	vmul.f32 v18, v8;
	v13 =	vld [tilespmem:s8+$0xFFFFFFD0];
	v23 =	vadd.f32 v19, v15  }
0xa1: {  	_ =	sdelay $0x1  }
0xa2: {  	v14 =	vld [tilespmem:s7+$0x20]  }
0xa3: {  	v16 =	vld [tilespmem:s8+$0xFFFFFFE0]  }
0xa4: {  	v18 =	vld [tilespmem:s7+$0x30];
	v15 =	vadd.f32 v22, v20;
	v11 =	vmul.f32 v11, v4  }
0xa5: {  	p5 =	sne.s32 s6, $0x1;
	v17 =	vadd.f32 v17, v23  }
.Ltmp11:
0xa6: {  	v19 =	vmul.f32 v9, v6;
	v9 =	vld [tilespmem:s8+$0x10];
	v12 =	vmul.f32 v12, v5;
	v15 =	vadd.f32 v11, v15;
	(pc) =	sbr.rel @!p5 .LBB2_19-.Ltmp11, $4  }
0xa7: {  	s7 =	simm.s32 $0x2C0;
	v11 =	vld [tilespmem:s8+$0xFFFFFFF0];
	v20 =	vmul.f32 v10, v1;
	v17 =	vadd.f32 v21, v17  }
0xa8: {  	v10 =	vld [tilespmem:s7+$0xFFFFFFC0];
	v13 =	vmul.f32 v13, v2;
	v21 =	vadd.f32 v12, v15;
	v15 =	vmul.f32 v14, v7  }
0xa9: {  	v12 =	vld [tilespmem:s8+$0x0];
	v22 =	vmul.f32 v16, v3;
	v18 =	vmul.f32 v18, v8;
	v14, _, _ =	vpop (xrf2)  }
0xaa: {  	s6 =	sadd.s32 $0xFFFFFFFF, s6;
	p4 =	por $0x1, $0x1;
	v20 =	vadd.f32 v13, v20;
	v13 =	vld [tilespmem:s7+$0xFFFFFFD0];
	v16 =	vadd.f32 v19, v21;
	(xrf2) =	vadd.scan.msk.f32 $0xffff, v17;
	v14 =	vmul.f32 $1.442695020e+00, v14  }
0xab: {  	_ =	sdelay $0x3  }
0xac: {  	v19 =	vld [tilespmem:s8+$0x20]  }
0xad: {  	v17 =	vadd.f32 v22, v20;
	v11 =	vmul.f32 v11, v4;
	v20 =	vadd.f32 v15, v16  }
0xae: {  	v21 =	vld [tilespmem:s7+$0xFFFFFFE0];
	v23 =	vmul.f32 v9, v6;
	v22 =	vbroadcast v14, $0xF  }
0xaf: {  	v24 =	vld [tilespmem:s8+$0x30];
	p5 =	sne.s32 s6, $0x1;
	v17 =	vadd.f32 v11, v17;
	v12 =	vmul.f32 v12, v5;
	v27 =	vadd.f32 v18, v20  }
.Ltmp12:
0xb0: {  	v25 =	vmul.f32 v10, v1;
	v11 =	vld [tilespmem:s7+$0xFFFFFFF0];
	(erf) = vpow2.f32 v22;
	(pc) =	sbr.rel @!p5 .LBB2_21-.Ltmp12, $4  }
0xb1: {  	v9 =	vld [tilespmem:s7+$0x10];
	v13 =	vmul.f32 v13, v2;
	v26 =	vadd.f32 v12, v17;
	v17 =	vmul.f32 v19, v7;
	v19, _, _ =	vpop (xrf2);
	(xrf2) =	vadd.scan.msk.f32 $0xffff, v27  }
0xb2: {  	s8 =	simm.s32 $0x340;
	v12 =	vld [tilespmem:s7+$0x0]  }
0xb3: {  	v10 =	vld [tilespmem:s8+$0xFFFFFFC0];
	v22 =	vmul.f32 v21, v3;
	v20 =	vadd.f32 v13, v25;
	v23 =	vadd.f32 v23, v26  }
0xb4: {  	s6 =	sadd.s32 $0xFFFFFFFF, s6;
	p6 =	por $0x1, $0x1;
	v21 =	vmul.f32 v24, v8;
	v13 =	vld [tilespmem:s8+$0xFFFFFFD0];
	v24 =	vmul.f32 $1.442695020e+00, v19;
	v19 =	vimm.f32 $0.0e+00  }
.LBB2_22:
0xb5: {  	p5 =	sne.s32 s6, $0x1;
	v20 =	vadd.f32 v22, v20;
	v11 =	vmul.f32 v11, v4;
	v22 =	vld [tilespmem:s7+$0x20];
	v17 =	vadd.f32 v17, v23  }
0xb6: {  	v23 =	vld [tilespmem:s8+$0xFFFFFFE0];
	v24 =	vbroadcast v24, $0xF  }
0xb7: {  	v20 =	vadd.f32 v11, v20;
	v12 =	vmul.f32 v12, v5;
	v25 =	vld [tilespmem:s7+$0x30];
	v17 =	vadd.f32 v21, v17;
	s7 =	smov.u32 s8  }
.Ltmp13:
0xb8: {  	v21 =	vmul.f32 v9, v6;
	v11 =	vld [tilespmem:s8+$0xFFFFFFF0];
	(erf) = vpow2.f32 v24;
	(pc) =	sbr.rel @p5 .LBB2_22-.Ltmp13, $4  }
0xb9: {  	v27 =	vmul.f32 v10, v1;
	v13 =	vmul.f32 v13, v2;
	v9 =	vld [tilespmem:s8+$0x10];
	v26 =	vadd.f32 v12, v20;
	(xrf2) =	vadd.scan.msk.f32 $0xffff, v17;
	v10 =	vpop (erf)  }
0xba: {  	s8 =	sadd.s32 $0x80, s8;
	v12 =	vld [tilespmem:s7+$0x0];
	v17 =	vmul.f32 v22, v7;
	v19 =	vadd.f32 v10, v19  }
0xbb: {  	v10 =	vld [tilespmem:s8+$0xFFFFFFC0];
	v20 =	vadd.f32 v13, v27;
	v22 =	vmul.f32 v23, v3;
	v23 =	vadd.f32 v21, v26;
	v24, _, _ =	vpop (xrf2)  }
0xbc: {  	s6 =	sadd.s32 $0xFFFFFFFF, s6;
	v13 =	vld [tilespmem:s8+$0xFFFFFFD0];
	v21 =	vmul.f32 v25, v8;
	v24 =	vmul.f32 $1.442695020e+00, v24  }
.LBB2_23:
0xbd: {  	_ = 	snop  }
0xbe: {  	v25 =	vld [tilespmem:s8+$0xFFFFFFE0];
	_ =	sdelay $0x1  }
0xbf: {  	v20 =	vadd.f32 @p1 v22, v20;
	v11 =	vmul.f32 @p1 v11, v4;
	v54 =	vld [tilespmem:s8+$0xFFFFFFF0]  }
0xc0: {  	v26 =	vld @p1 [tilespmem:s7+$0x20];
	v10 =	vmul.f32 v10, v1;
	v13 =	vmul.f32 v13, v2  }
0xc1: {  	v55 =	vld [tilespmem:s8+$0x0];
	v11 =	vadd.f32 @p1 v11, v20  }
0xc2: {  	v56 =	vld [tilespmem:s8+$0x10];
	v12 =	vmul.f32 @p1 v12, v5;
	v25 =	vmul.f32 v25, v3;
	v10 =	vadd.f32 v13, v10  }
0xc3: {  	v17 =	vadd.f32 @p2 v17, v23;
	v9 =	vmul.f32 @p1 v9, v6;
	v13 =	vld @p1 [tilespmem:s7+$0x30]  }
0xc4: {  	v11 =	vadd.f32 @p1 v12, v11;
	v22 =	vmul.f32 v54, v4;
	v10 =	vadd.f32 v25, v10  }
0xc5: {  	v57 =	vld [tilespmem:s8+$0x20];
	v17 =	vadd.f32 @p2 v21, v17;
	v23 =	vmul.f32 @p1 v26, v7  }
0xc6: {  	v20 =	vmul.f32 v55, v5;
	v9 =	vadd.f32 @p1 v9, v11;
	v10 =	vadd.f32 v22, v10  }
0xc7: {  	v12 =	vmul.f32 v56, v6;
	v15 =	vpsel p1, v23, v15  }
0xc8: {  	v58 =	vld [tilespmem:s8+$0x30];
	(xrf2) =	vadd.scan.msk.f32 @p2 $0xffff, v17;
	v9 =	vpsel p1, v9, v16;
	v13 =	vmul.f32 @p1 v13, v8;
	v10 =	vadd.f32 v20, v10  }
0xc9: {  	v9 =	vadd.f32 @p1 v15, v9  }
0xca: {  	v11 =	vmul.f32 v57, v7;
	v13 =	vpsel p1, v13, v18;
	v10 =	vadd.f32 v12, v10  }
0xcb: {  	v9 =	vadd.f32 @p1 v13, v9  }
0xcc: {  	v10 =	vadd.f32 v11, v10  }
0xcd: {  	v59 =	vmul.f32 v58, v8;
	(xrf2) =	vadd.scan.msk.f32 @p1 $0xffff, v9;
	_ =	sdelay $0x1  }
0xce: {  	v9 =	vadd.f32 v59, v10  }
0xcf: {  	v10, _, _ =	vpop @p3 (xrf2)  }
0xd0: {  	(xrf2) =	vadd.scan.msk.f32 $0xffff, v9;
	v9 =	vbroadcast @p4 v24, $0xF;
	v10 =	vmul.f32 @p3 $1.442695020e+00, v10  }
0xd1: {  	v11, _, _ =	vpop @p2 (xrf2)  }
0xd2: {  	(erf) = vpow2.f32 @p4 v9;
	v9 =	vpsel p3, v10, v14;
	v10 =	vmul.f32 @p2 $1.442695020e+00, v11;
	_ =	sdelay $0x1  }
0xd3: {  	v9 =	vbroadcast @p3 v9, $0xF;
	_ =	sdelay $0x1  }
0xd4: {  	(erf) = vpow2.f32 @p3 v9;
	v9 =	vpsel p2, v10, v0;
	v10, _, _ =	vpop @p1 (xrf2)  }
0xd5: {  	v9 =	vbroadcast @p2 v9, $0xF;
	v10 =	vmul.f32 @p1 $1.442695020e+00, v10;
	_ =	sdelay $0x1  }
0xd6: {  	v11 =	vpop @p6 (erf);
	(erf) = vpow2.f32 @p2 v9;
	v9 =	vpsel p1, v10, v0  }
0xd7: {  	v10 =	vadd.f32 @p6 v11, v19;
	v60, _, _ =	vpop (xrf2);
	v9 =	vbroadcast @p1 v9, $0xF  }
0xd8: {  	v11 =	vmul.f32 $1.442695020e+00, v60  }
0xd9: {  	v12 =	vpop @p4 (erf);
	v10 =	vpsel p6, v10, v0;
	(erf) = vpow2.f32 @p1 v9  }
0xda: {  	v9 =	vadd.f32 @p4 v12, v10;
	v61 =	vbroadcast v11, $0xF;
	_ =	sdelay $0x1  }
0xdb: {  	v9 =	vpsel p4, v9, v0;
	v11 =	vpop @p3 (erf);
	(erf) = vpow2.f32 v61  }
0xdc: {  	v9 =	vadd.f32 @p3 v11, v9;
	_ =	sdelay $0x1  }
0xdd: {  	v10 =	vpop @p2 (erf);
	v9 =	vpsel p3, v9, v0  }
0xde: {  	v9 =	vadd.f32 @p2 v10, v9;
	_ =	sdelay $0x1  }
0xdf: {  	v9 =	vpsel p2, v9, v0;
	v10 =	vpop @p1 (erf)  }
0xe0: {  	v9 =	vadd.f32 @p1 v10, v9;
	_ =	sdelay $0x1  }
0xe1: {  	v63 =	vpop (erf);
	v62 =	vpsel p1, v9, v0  }
0xe2: {  	v0 =	vadd.f32 v63, v62;
	_ =	sdelay $0x1  }
0xe3: {  	s6 =	simm.s32 $0x1400;
	p1 =	sgt.u32 s1, $0xD;
	[tilespmem:$0x1400] =	vst v0  }
0xe4: {  	[spmem:s5] =	stream.linear.scatter [tilespmem:s6], [sflag:$0x1], $0x10, $0x38;
	[tilespmem:$0x18F8] =	vst v63  }
0xe5: {  	s5 =	simm.s32 @!p1 $0x1  }
0xe6: {  	s5 =	sshll.u32 @!p1 s5, s1  }
0xe7: {  	s5 =	sand.u32 @!p1 $0x2401, s5  }
0xe8: {  	p2 =	sne.s32 @!p1 s5, $0x0  }
0xe9: {  	p1 =	por !p2, p1  }
0xea: {  	[tilespmem:$0xD80] =	vst @!p1 v1  }
0xeb: {  	[tilespmem:$0xD90] =	vst @!p1 v2  }
0xec: {  	[tilespmem:$0xDA0] =	vst @!p1 v3  }
0xed: {  	[tilespmem:$0xDB0] =	vst @!p1 v4  }
0xee: {  	[tilespmem:$0xDC0] =	vst @!p1 v5  }
0xef: {  	[tilespmem:$0xDD0] =	vst @!p1 v6  }
0xf0: {  	[tilespmem:$0xDE0] =	vst @!p1 v7  }
0xf1: {  	[tilespmem:$0xDF0] =	vst @!p1 v8;
	s5 =	simm.s32 @!p1 $0xD80  }
0xf2: {  	[spmem:s4] =	stream.linear.scatter @!p1 [tilespmem:s5], [sflag:$0x2], $0x80, $0x38;
	[tilespmem:$0x18F8] =	vst v63  }
0xf3: {  	s4 =	simm.s32 @!p1 $0x2  }
0xf4: {  	_ =	swait.ge @!p1 [sflag:s4], $0x80  }
.Ltmp14:
0xf5: {  	[sflag:s4] =	ssyncset.done @!p1 $0x0;
	(pc) =	sbr.rel .LBB2_25-.Ltmp14, $4  }
0xf6: {  	s31 =	simm.s32 $0x1;
	[sflag:s4] =	ssyncadd.s32 @!p1 $0xFFFFFF80  }
0xf7: {  	_ =	swait.ge [sflag:s31], $0x10  }
0xf8: {  	[sflag:s31] =	ssyncset.done $0x0  }
0xf9: {  	[sflag:s31] =	ssyncadd.s32 $0xFFFFFFF0  }
.LBB2_24:
0xfa: {  	[bflag:$0x0] =	sbarrier.arrive $0xFFFF  }
.LBB2_25:
.Ltmp15:
0xfb: {  	(pc) =	sbr.rel @p0 .LBB2_27-.Ltmp15, $2  }
0xfc: {  	_ =	sdelay $0x1  }
0xfd: {  	[bflag:$0x0] =	sbarrier.arrive $0xFFFF;
	_ =	sdelay $0x1  }
0xfe: {  	s4 =	simm.s32 $0x1480;
	s30 =	simm.s32 $0x2  }
0xff: {  	[tilespmem:s4], [sflag:$0x2] =	stream.linear.gather [spmem:s3], $0x280, $0x38;
	[tilespmem:$0x18F8] =	vst v63  }
0x100: {  	_ =	swait.ge [sflag:s30], $0x280  }
0x101: {  	[sflag:s30] =	ssyncset.done $0x0  }
0x102: {  	[sflag:s30] =	ssyncadd.s32 $0xFFFFFD80  }
0x103: {  	v0 =	vld [tilespmem:$0x1480]  }
0x104: {  	v1 =	vld [tilespmem:$0x1490]  }
0x105: {  	v2 =	vld [tilespmem:$0x1580]  }
0x106: {  	v3 =	vld [tilespmem:$0x1590]  }
0x107: {  	v4 =	vld [tilespmem:$0x15A0]  }
0x108: {  	v5 =	vld [tilespmem:$0x15B0]  }
0x109: {  	v6 =	vld [tilespmem:$0x15C0]  }
0x10a: {  	v7 =	vld [tilespmem:$0x15D0]  }
0x10b: {  	v8 =	vld [tilespmem:$0x15E0]  }
0x10c: {  	v9 =	vld [tilespmem:$0x15F0]  }
0x10d: {  	v10 =	vld [tilespmem:$0x80]  }
0x10e: {  	v11 =	vld [tilespmem:$0x90]  }
0x10f: {  	v12 =	vld [tilespmem:$0xA0]  }
0x110: {  	v13 =	vld [tilespmem:$0xB0]  }
0x111: {  	v14 =	vld [tilespmem:$0xC0]  }
0x112: {  	v15 =	vld [tilespmem:$0xD0]  }
0x113: {  	v16 =	vld [tilespmem:$0xE0]  }
0x114: {  	v17 =	vld [tilespmem:$0xF0]  }
0x115: {  	v18 =	vld [tilespmem:$0x1600]  }
0x116: {  	v19 =	vld [tilespmem:$0x1610]  }
0x117: {  	v20 =	vld [tilespmem:$0x1620]  }
0x118: {  	v52 =	vld [tilespmem:$0x1680]  }
0x119: {  	v21 =	vld [tilespmem:$0x1690]  }
0x11a: {  	v54 =	vld [tilespmem:$0x1630];
	v2 =	vmul.f32 v10, v2;
	v3 =	vmul.f32 v11, v3  }
0x11b: {  	v22 =	vld [tilespmem:$0x16A0];
	v18 =	vmul.f32 v18, v10;
	v19 =	vmul.f32 v19, v11  }
0x11c: {  	v56 =	vld [tilespmem:$0x1640];
	v51 =	vmul.f32 v12, v4;
	v2 =	vadd.f32 v3, v2  }
0x11d: {  	v58 =	vld [tilespmem:$0x16B0];
	v53 =	vmul.f32 v13, v5;
	v57 =	vmul.f32 v20, v12;
	v18 =	vadd.f32 v19, v18  }
0x11e: {  	v61 =	vld [tilespmem:$0x1650];
	v59 =	vmul.f32 v52, v10;
	v60 =	vmul.f32 v21, v11;
	v2 =	vadd.f32 v51, v2  }
0x11f: {  	v63 =	vld [tilespmem:$0x16C0];
	v55 =	vmul.f32 v14, v6;
	v5 =	vmul.f32 v54, v13;
	v62 =	vadd.f32 v57, v18  }
0x120: {  	v21 =	vld [tilespmem:$0x1660];
	v3 =	vadd.f32 v60, v59;
	v19 =	vmul.f32 v22, v12;
	v2 =	vadd.f32 v53, v2  }
0x121: {  	v7 =	vmul.f32 v15, v7;
	v6 =	vmul.f32 v56, v14;
	v22 =	vld [tilespmem:$0x16D0];
	v5 =	vadd.f32 v5, v62  }
0x122: {  	v23 =	vld [tilespmem:$0x1670];
	v24 =	vmul.f32 v58, v13;
	v3 =	vadd.f32 v19, v3;
	v2 =	vadd.f32 v55, v2  }
0x123: {  	v26 =	vld [tilespmem:$0x16E0];
	v8 =	vmul.f32 v16, v8;
	v25 =	vmul.f32 v61, v15;
	v5 =	vadd.f32 v6, v5  }
0x124: {  	v27 =	vld [tilespmem:$0x14A0];
	v28 =	vmul.f32 v63, v14;
	v3 =	vadd.f32 v24, v3;
	v2 =	vadd.f32 v7, v2  }
0x125: {  	v30 =	vld [tilespmem:$0x16F0];
	v9 =	vmul.f32 v17, v9;
	v29 =	vmul.f32 v21, v16;
	v5 =	vadd.f32 v25, v5  }
0x126: {  	v32 =	vmul.f32 v22, v15;
	v31 =	vadd.f32 v28, v3;
	v2 =	vadd.f32 v8, v2  }
0x127: {  	v33 =	vld [tilespmem:$0x14B0];
	v0 =	vadd.f32 v1, v0;
	v4 =	vmul.f32 v23, v17;
	v5 =	vadd.f32 v29, v5  }
0x128: {  	v34 =	vmul.f32 v26, v16;
	v1 =	vadd.f32 v32, v31;
	v2 =	vadd.f32 v9, v2  }
0x129: {  	v35 =	vld [tilespmem:$0x14C0];
	v36 =	vadd.f32 v4, v5  }
0x12a: {  	v37 =	vmul.f32 v30, v17;
	v0 =	vadd.f32 v27, v0;
	v1 =	vadd.f32 v34, v1;
	(xrf2) =	vadd.scan.msk.f32 $0xffff, v2  }
0x12b: {  	v38 =	vld [tilespmem:$0x14D0];
	(xrf2) =	vadd.scan.msk.f32 $0xffff, v36  }
0x12c: {  	v0 =	vadd.f32 v33, v0;
	v1 =	vadd.f32 v37, v1  }
0x12d: {  	v39 =	vld [tilespmem:$0x14E0]  }
0x12e: {  	v0 =	vadd.f32 v35, v0;
	(xrf2) =	vadd.scan.msk.f32 $0xffff, v1  }
0x12f: {  	v40 =	vld [tilespmem:$0x14F0]  }
0x130: {  	v41 =	vld [tilespmem:$0x1500];
	v0 =	vadd.f32 v38, v0  }
0x131: {  	v42 =	vld [tilespmem:$0x1510]  }
0x132: {  	v43 =	vld [tilespmem:$0x1520];
	v0 =	vadd.f32 v39, v0  }
0x133: {  	v45 =	vld [tilespmem:$0x1530]  }
0x134: {  	v0 =	vadd.f32 v40, v0;
	v44, _, _ =	vpop (xrf2)  }
0x135: {  	v47 =	vld [tilespmem:$0x1540];
	v46 =	vmul.f32 $1.442695020e+00, v44;
	v48, _, _ =	vpop (xrf2)  }
0x136: {  	v0 =	vadd.f32 v41, v0;
	v49 =	vmul.f32 $1.442695020e+00, v48  }
0x137: {  	v1 =	vbroadcast v46, $0xF  }
0x138: {  	v0 =	vadd.f32 v42, v0;
	v2 =	vadd.f32 v45, v43;
	v50, _, _ =	vpop (xrf2);
	v3 =	vbroadcast v49, $0xF  }
0x139: {  	v51 =	vld [tilespmem:$0x1550];
	(erf) = vpow2.f32 v1;
	v1 =	vmul.f32 $1.442695020e+00, v50  }
0x13a: {  	v2 =	vadd.f32 v47, v2;
	(erf) = vrcp.f32 v0  }
0x13b: {  	(erf) = vpow2.f32 v3;
	v52 =	vbroadcast v1, $0xF  }
0x13c: {  	(erf) = vrcp.f32 v2  }
0x13d: {  	(erf) = vpow2.f32 v52  }
0x13e: {  	(erf) = vrcp.f32 v51;
	_ =	sdelay $0x3  }
0x13f: {  	v53 =	vpop (erf)  }
0x140: {  	v54 =	vpop (erf)  }
0x141: {  	v55 =	vpop (erf)  }
0x142: {  	v56 =	vpop (erf)  }
0x143: {  	v57 =	vpop (erf)  }
0x144: {  	v58 =	vpop (erf)  }
0x145: {  	vm0 =	vcmask $0xF0C;
	v59 =	vimm.f32 $0.0e+00;
	v60 =	vld [tilespmem:$0x1700];
	v4 =	vmul.f32 v57, v58  }
0x146: {  	vm13 =	vcmask $0x3F0C;
	v61 =	vsel vm0, $0x3F800000, v59;
	v2 =	vmul.f32 v55, v56  }
0x147: {  	vm14 =	vcmask $0x3F08;
	v0 =	vmul.f32 v53, v54;
	v62 =	vsel vm13, v61, v4  }
0x148: {  	vm15 =	vmmov $0x1;
	v1 =	vsel vm14, v62, v2  }
0x149: {  	v0 =	vsel vm15, v0, v1  }
0x14a: {  	v0 =	vmul.f32 v0, v60;
	_ =	sdelay $0x1  }
0x14b: {  	(xrf2) =	vadd.scan.msk.f32 $0xffff, v0;
	_ =	sdelay $0x9  }
0x14c: {  	v0, _, _ =	vpop (xrf2)  }
0x14d: {  	v0 =	vbroadcast v0, $0xF;
	_ =	sdelay $0x1  }
0x14e: {  	v63 =	vsub.f32 $1.000000000e+00, v0  }
0x14f: {  	[tilespmem:$0x1780] =	vst v0  }
0x150: {  	s2 =	sadd.s32 $0xA00, s2;
	s31 =	simm.s32 $0x0;
	s5 =	simm.s32 $0x1780;
	[tilespmem:$0x1790] =	vst v63  }
0x151: {  	[hbm4b:s2+s31] =	stream.linear.scatter [tilespmem:s5], [sflag:$0x2], $0x80, $0x38;
	[tilespmem:$0x18F8] =	vst v63  }
0x152: {  	_ =	swait.ge [sflag:s30], $0x80  }
0x153: {  	[sflag:s30] =	ssyncset.done $0x0  }
0x154: {  	[sflag:s30] =	ssyncadd.s32 $0xFFFFFF80  }
.LBB2_27:
0x155: {  	_ =	sfence.sel $0x180000  }
0x156: {  	[bflag:$0x0] =	sbarrier.arrive $0xFFFF  }
0x157: {  	p0 =	sne.s32 s1, $0x0;
	_ =	strace $0x90000047  }
0x158: {  	s0 =	sadd.s32 @!p0 $0x100000, s0;
	[bflag:$0x2] =	sbarrier.arrive $0xFFFF  }
0x159: {  	[sflag:s0] =	ssyncadd.tile.s32 @!p0 $0x1;
	_ =	shalt  }
.LBB2_2:
.Ltmp16:
0x15a: {  	(pc) =	sbr.rel .LBB2_6-.Ltmp16, $4  }
0x15b: {  	_ = 	snop  }
0x15c: {  	v8 =	vimm.f32 $0.0e+00;
	v7 =	vimm.f32 $0.0e+00  }
0x15d: {  	v3 =	vimm.f32 $0.0e+00;
	v1 =	vimm.f32 $0.0e+00;
	v2 =	vimm.f32 $0.0e+00  }
0x15e: {  	v4 =	vimm.f32 $0.0e+00;
	v5 =	vimm.f32 $0.0e+00;
	v6 =	vimm.f32 $0.0e+00  }
.LBB2_11:
.Ltmp17:
0x15f: {  	(pc) =	sbr.rel .LBB2_23-.Ltmp17, $2  }
0x160: {  	_ =	sdelay $0x2  }
0x161: {  	s8 =	simm.s32 $0xC0;
	v19 =	vimm.f32 $0.0e+00  }
.LBB2_4:
.Ltmp18:
0x162: {  	(pc) =	sbr.rel .LBB2_6-.Ltmp18, $2  }
0x163: {  	_ =	sdelay $0x2  }
0x164: {  	v8 =	vimm.f32 $0.0e+00;
	v7 =	vimm.f32 $0.0e+00  }
.LBB2_13:
.Ltmp19:
0x165: {  	(pc) =	sbr.rel .LBB2_23-.Ltmp19, $2  }
0x166: {  	_ =	sdelay $0x2  }
0x167: {  	v19 =	vimm.f32 $0.0e+00  }
.LBB2_15:
.Ltmp20:
0x168: {  	(pc) =	sbr.rel .LBB2_23-.Ltmp20, $2  }
0x169: {  	_ =	sdelay $0x2  }
0x16a: {  	s7 =	simm.s32 $0x140;
	s8 =	simm.s32 $0x1C0;
	v19 =	vimm.f32 $0.0e+00  }
.LBB2_17:
.Ltmp21:
0x16b: {  	(pc) =	sbr.rel .LBB2_23-.Ltmp21, $2  }
0x16c: {  	_ =	sdelay $0x2  }
0x16d: {  	v19 =	vimm.f32 $0.0e+00  }
.LBB2_19:
.Ltmp22:
0x16e: {  	(pc) =	sbr.rel .LBB2_23-.Ltmp22, $2  }
0x16f: {  	_ =	sdelay $0x2  }
0x170: {  	s7 =	simm.s32 $0x240;
	v17 =	vmovc v15;
	s8 =	simm.s32 $0x2C0;
	v21 =	vmovc v18;
	v19 =	vimm.f32 $0.0e+00;
	v23 =	vmov v16;
	v24 =	vmov v14  }
.LBB2_21:
.Ltmp23:
0x171: {  	(pc) =	sbr.rel .LBB2_23-.Ltmp23, $2  }
0x172: {  	_ =	sdelay $0x2  }
0x173: {  	v19 =	vimm.f32 $0.0e+00  }
.Lfunc_end2:
_tile_overlayer_lowered:
.L_overlay_start_2:
0x174: {  	(tag) =	ssettag $0x2  }
0x175: {  	s0 =	rddreg [dreg:$0x0];
	s2 =	stileid.u32  }
0x176: {  	s1 =	rddreg [dreg:$0x1];
	p0 =	sne.s32 s2, $0x0  }
0x177: {  	s3 =	rddreg [dreg:$0x2];
	[bflag:$0x3] =	sbarrier.arrive $0xFFFF;
	s2 =	simm.s32 @!p0 $0x1C02  }
0x178: {  	[timem:s3], [sflag:s2] =	dma.local @!p0 [hbm:s0], s1  }
0x179: {  	s0 =	simm.s32 @!p0 $0x2  }
0x17a: {  	_ =	swait.ge @!p0 [sflag:s0], s1  }
0x17b: {  	s1 =	ssub.s32 @!p0 $0x0, s1;
	[sflag:s0] =	ssyncset.done @!p0 $0x0  }
0x17c: {  	[sflag:s0] =	ssyncadd.s32 @!p0 s1  }
0x17d: {  	[bflag:$0x3] =	sbarrier.arrive $0xFFFF  }
0x17e: {  	_ =	shalt  }

</sc_bundles>
